<compile_context>
chip_gen: v7x
topology: tpu7x:2x2x1
jax: 0.10.2.dev20260603
libtpu: 0.0.44.dev20260713+nightly
codegen_flags: <defaults>
</compile_context>

<pallas_src>
import functools

import jax
import jax.numpy as jnp
from jax import lax
from jax.experimental import pallas as pl
from jax.experimental.pallas import tpu as pltpu
from jax.experimental.pallas import tpu_sc as plsc

N = 10000
E = 320000
DIN = 128
DH = 64
NC, NS, L = 2, 16, 16
NW = NC * NS
CH = 128
NCHW = 80
NCHT = NCHW * NW
EP = NCHT * CH
EWP = NCHW * CH
NPAD = 10240
TRASH = N
RPT = NPAD // NS
RPTR = NPAD // CH // NS
NSTG = N // NS
ZR = 64

_SC_PARAMS = pltpu.CompilerParams(needs_layout_passes=False,
                                  use_tc_tiling_on_sc=False)
_ONES_DN = (((0,), (0,)), ((), ()))


def _dis_col(hist):
    deg = lax.dot_general(hist, jnp.ones((NC, 1), jnp.float32), _ONES_DN,
                          preferred_element_type=jnp.float32)
    return lax.rsqrt(deg + 1.0)


def _zero2d(buf):
    def zero(i, _):
        for u in range(4):
            k = 4 * i + u
            buf[k // (CH // L),
                pl.ds(pl.multiple_of((k % (CH // L)) * L, L), L)] = (
                jnp.zeros((L,), jnp.float32))
        return 0

    lax.fori_loop(0, NPAD // L // 4, zero, 0)


def _combine(part, shacc, out_hbm, cid, sid):
    iota = jnp.arange(L, dtype=jnp.int32)
    for j in range(NPAD // CH // L):
        pltpu.sync_copy(part.at[pl.ds(j * L, L)], shacc.at[iota + j * L],
                        add=True)
    plsc.subcore_barrier()
    pltpu.sync_copy(shacc.at[pl.ds(sid * RPTR, RPTR)],
                    out_hbm.at[cid, pl.ds(sid * RPTR, RPTR)])


def _deg_body(dst_hbm, out_hbm, dst_v, hist, shacc):
    cid = lax.axis_index("c")
    sid = lax.axis_index("s")
    wid = cid * NS + sid
    pltpu.sync_copy(dst_hbm.at[wid], dst_v)
    _zero2d(hist)
    pltpu.sync_copy(hist.at[pl.ds(sid * RPTR, RPTR)],
                    shacc.at[pl.ds(sid * RPTR, RPTR)])
    plsc.subcore_barrier()
    ones = jnp.ones((L,), jnp.float32)

    def step(i, _):
        for u in range(4):
            d16 = dst_v[pl.ds(pl.multiple_of((4 * i + u) * L, L), L)]
            row = lax.shift_right_logical(d16, 7)
            col = jnp.bitwise_and(d16, 127)
            plsc.addupdate_scatter(hist, [row, col], ones)
        return 0

    lax.fori_loop(0, EWP // L // 4, step, 0)
    _combine(hist, shacc, out_hbm, cid, sid)


@functools.cache
def _deg_call():
    return pl.kernel(
        _deg_body,
        out_type=jax.ShapeDtypeStruct((NC, NPAD // CH, CH), jnp.float32),
        mesh=plsc.VectorSubcoreMesh(core_axis_name="c", subcore_axis_name="s",
                                    num_cores=NC, num_subcores=NS),
        compiler_params=_SC_PARAMS,
        scratch_types=[
            pltpu.VMEM((EWP,), jnp.int32),
            pltpu.VMEM((NPAD // CH, CH), jnp.float32),
            pltpu.VMEM_SHARED((NPAD // CH, CH), jnp.float32),
        ],
    )


def _agg_body(g1_hbm, src_hbm, dst_hbm, out_hbm,
              src_v, dst_v, rows0, rows1, zb, g1_s, accum, sem0, sem1):
    cid = lax.axis_index("c")
    sid = lax.axis_index("s")
    acc_v = accum.at[pl.ds(jnp.bitwise_and(sid, 1) * NPAD, NPAD)]

    pltpu.async_copy(g1_hbm.at[pl.ds(sid * NSTG, NSTG)],
                     g1_s.at[pl.ds(sid * NSTG, NSTG)], sem0)

    def zzero(i, _):
        r = i // (DH // 32)
        c = i % (DH // 32)
        zb[r, pl.ds(pl.multiple_of(c * 32, 32), 32)] = (
            jnp.zeros((32,), jnp.bfloat16))
        return 0

    lax.fori_loop(0, ZR * (DH // 32), zzero, 0)

    def zcopy(r, _):
        pltpu.sync_copy(zb, accum.at[pl.ds(2 * sid * RPT + r * ZR, ZR)])
        return 0

    lax.fori_loop(0, 2 * RPT // ZR, zcopy, 0)
    pltpu.make_async_copy(g1_hbm.at[pl.ds(sid * NSTG, NSTG)],
                          g1_s.at[pl.ds(sid * NSTG, NSTG)], sem0).wait()
    plsc.subcore_barrier()

    def edge_run(base, nch):
        pltpu.sync_copy(src_hbm.at[pl.ds(base, nch)], src_v.at[pl.ds(0, nch)])
        pltpu.sync_copy(dst_hbm.at[pl.ds(base, nch)], dst_v.at[pl.ds(0, nch)])
        pltpu.async_copy(g1_s.at[src_v.at[0]], rows0, sem0)
        pltpu.async_copy(g1_s.at[src_v.at[1]], rows1, sem1)

        def step(k, _):
            j0 = 2 * k
            pltpu.make_async_copy(g1_s.at[src_v.at[j0]], rows0, sem0).wait()
            pltpu.sync_copy(rows0, acc_v.at[dst_v.at[j0]], add=True)
            pltpu.async_copy(g1_s.at[src_v.at[j0 + 2]], rows0, sem0)
            pltpu.make_async_copy(g1_s.at[src_v.at[j0 + 1]], rows1, sem1).wait()
            pltpu.sync_copy(rows1, acc_v.at[dst_v.at[j0 + 1]], add=True)
            pltpu.async_copy(g1_s.at[src_v.at[j0 + 3]], rows1, sem1)
            return 0

        lax.fori_loop(0, nch // 2 - 1, step, 0)
        jlast = nch - 2
        pltpu.make_async_copy(g1_s.at[src_v.at[jlast]], rows0, sem0).wait()
        pltpu.sync_copy(rows0, acc_v.at[dst_v.at[jlast]], add=True)
        pltpu.make_async_copy(g1_s.at[src_v.at[jlast + 1]], rows1, sem1).wait()
        pltpu.sync_copy(rows1, acc_v.at[dst_v.at[jlast + 1]], add=True)

    edge_run((cid * NS + sid) * NCHW, NCHW)

    plsc.subcore_barrier()
    pltpu.sync_copy(accum.at[pl.ds(2 * sid * RPT, 2 * RPT)],
                    out_hbm.at[cid, pl.ds(2 * sid * RPT, 2 * RPT)])


@functools.cache
def _agg_call():
    return pl.kernel(
        _agg_body,
        out_type=jax.ShapeDtypeStruct((NC, 2 * NPAD, DH), jnp.bfloat16),
        mesh=plsc.VectorSubcoreMesh(core_axis_name="c", subcore_axis_name="s",
                                    num_cores=NC, num_subcores=NS),
        compiler_params=_SC_PARAMS,
        scratch_types=[
            pltpu.VMEM((NCHW, CH), jnp.int32),
            pltpu.VMEM((NCHW, CH), jnp.int32),
            pltpu.VMEM((CH, DH), jnp.bfloat16),
            pltpu.VMEM((CH, DH), jnp.bfloat16),
            pltpu.VMEM((ZR, DH), jnp.bfloat16),
            pltpu.VMEM_SHARED((N, DH), jnp.bfloat16),
            pltpu.VMEM_SHARED((2 * NPAD, DH), jnp.bfloat16),
            pltpu.SemaphoreType.DMA,
            pltpu.SemaphoreType.DMA,
        ],
    )


def _seg_body(g2_hbm, src_hbm, dst_hbm, out_hbm, g2_v, src_v, dst_v, acc,
              shacc):
    cid = lax.axis_index("c")
    sid = lax.axis_index("s")
    wid = cid * NS + sid
    pltpu.sync_copy(g2_hbm, g2_v)
    pltpu.sync_copy(src_hbm.at[wid], src_v)
    pltpu.sync_copy(dst_hbm.at[wid], dst_v)
    _zero2d(acc)
    pltpu.sync_copy(acc.at[pl.ds(sid * RPTR, RPTR)],
                    shacc.at[pl.ds(sid * RPTR, RPTR)])
    plsc.subcore_barrier()

    def step(i, _):
        for u in range(4):
            s16 = src_v[pl.ds(pl.multiple_of((4 * i + u) * L, L), L)]
            d16 = dst_v[pl.ds(pl.multiple_of((4 * i + u) * L, L), L)]
            srow = lax.shift_right_logical(s16, 7)
            scol = jnp.bitwise_and(s16, 127)
            drow = lax.shift_right_logical(d16, 7)
            dcol = jnp.bitwise_and(d16, 127)
            vals = plsc.load_gather(g2_v, [srow, scol])
            plsc.addupdate_scatter(acc, [drow, dcol], vals)
        return 0

    lax.fori_loop(0, EWP // L // 4, step, 0)
    _combine(acc, shacc, out_hbm, cid, sid)


@functools.cache
def _seg_call():
    return pl.kernel(
        _seg_body,
        out_type=jax.ShapeDtypeStruct((NC, NPAD // CH, CH), jnp.float32),
        mesh=plsc.VectorSubcoreMesh(core_axis_name="c", subcore_axis_name="s",
                                    num_cores=NC, num_subcores=NS),
        compiler_params=_SC_PARAMS,
        scratch_types=[
            pltpu.VMEM((NPAD // CH, CH), jnp.float32),
            pltpu.VMEM((EWP,), jnp.int32),
            pltpu.VMEM((EWP,), jnp.int32),
            pltpu.VMEM((NPAD // CH, CH), jnp.float32),
            pltpu.VMEM_SHARED((NPAD // CH, CH), jnp.float32),
        ],
    )


def _lin1_body(x_ref, w1_ref, hist_ref, g1_ref, disr_ref):
    hist = hist_ref[...]
    deg_row = jnp.sum(hist, axis=0, keepdims=True)
    disr_ref[...] = lax.rsqrt(deg_row + 1.0)
    dis = _dis_col(hist)
    h1 = jnp.dot(x_ref[...], w1_ref[...],
                 preferred_element_type=jnp.float32)
    g1_ref[...] = (dis[:N] * h1).astype(jnp.bfloat16)


def _lin1(x, w1, hist):
    return pl.pallas_call(
        _lin1_body,
        out_shape=(
            jax.ShapeDtypeStruct((N, DH), jnp.bfloat16),
            jax.ShapeDtypeStruct((1, NPAD), jnp.float32),
        ),
    )(x, w1, hist)


def _lin2_body(u_ref, hist_ref, g1_ref, b1_ref, w2_ref, g2_ref):
    dis = _dis_col(hist_ref[...])
    u = (u_ref[0, :N, :].astype(jnp.float32)
         + u_ref[0, NPAD:NPAD + N, :].astype(jnp.float32)
         + u_ref[1, :N, :].astype(jnp.float32)
         + u_ref[1, NPAD:NPAD + N, :].astype(jnp.float32)
         + g1_ref[...].astype(jnp.float32))
    m1 = dis[:N] * u + b1_ref[...][None, :]
    a1 = jnp.maximum(m1, 0.0)
    h2 = jnp.dot(a1, w2_ref[...],
                 preferred_element_type=jnp.float32)
    g2_ref[:N] = dis[:N] * h2
    g2_ref[N:] = jnp.zeros((NPAD - N, 1), jnp.float32)


def _lin2(u_parts, hist, g1, b1, w2):
    return pl.pallas_call(
        _lin2_body,
        out_shape=jax.ShapeDtypeStruct((NPAD, 1), jnp.float32),
    )(u_parts, hist, g1, b1, w2)


def _fin_body(w_ref, g2r_ref, disr_ref, b2_ref, out_ref):
    w_row = jnp.sum(w_ref[...], axis=0, keepdims=True)
    out_ref[...] = (disr_ref[:, :N] * (w_row[:, :N] + g2r_ref[:, :N])
                    + b2_ref[...][None, :])


def _fin(w_parts, g2_row, dis_row, b2):
    return pl.pallas_call(
        _fin_body,
        out_shape=jax.ShapeDtypeStruct((1, N), jnp.float32),
    )(w_parts, g2_row, dis_row, b2)


def kernel(x, edge_index, W1, b1, W2, b2):
    ei = edge_index.astype(jnp.int32)
    pad = EP - E
    src = jnp.pad(ei[0], (0, pad))
    dst = jnp.pad(ei[1], (0, pad), constant_values=TRASH)
    src3 = src.reshape(NCHT, CH)
    dst3 = dst.reshape(NCHT, CH)
    src2 = src.reshape(NW, EWP)
    dst2 = dst.reshape(NW, EWP)

    hist = _deg_call()(dst2).reshape(NC, NPAD)
    g1, dis_row = _lin1(x, W1, hist)
    u_parts = _agg_call()(g1, src3, dst3)
    g2 = _lin2(u_parts, hist, g1, b1, W2)
    w_parts = _seg_call()(g2.reshape(NPAD // CH, CH), src2, dst2)
    out = _fin(w_parts.reshape(NC, NPAD), g2.reshape(1, NPAD), dis_row, b2)
    return out[0]

# --- scband reference (transcript-rebuilt; emitter-appended) ---
"""Pipeline reference for scband-dgnn-91242285236233 (READ-ONLY COPY).

The authoritative reference and input builder live on the scoring server;
editing this copy changes nothing except your own understanding.
"""

import jax, jax.numpy as jnp
import numpy as np

N_NODES = 10000


def gcn_conv(x, edge_index, W, b, num_nodes):
    # PyG-style GCNConv: linear transform, add self-loops, symmetric normalization,
    # scatter-add aggregation, then bias.
    h = x @ W
    loop = jnp.arange(num_nodes, dtype=edge_index.dtype)
    src = jnp.concatenate([edge_index[0], loop])
    dst = jnp.concatenate([edge_index[1], loop])
    ones = jnp.ones(src.shape[0], dtype=x.dtype)
    deg = jax.ops.segment_sum(ones, dst, num_segments=num_nodes)
    deg_inv_sqrt = jnp.where(deg > 0, deg ** -0.5, 0.0)
    norm = deg_inv_sqrt[src] * deg_inv_sqrt[dst]
    msgs = h[src] * norm[:, None]
    out = jax.ops.segment_sum(msgs, dst, num_segments=num_nodes)
    return out + b


def setup_inputs(seed: int = 0) -> dict:
    key = jax.random.key(seed)
    k1, k2, k3, k4, k5 = jax.random.split(key, 5)
    x = jax.random.normal(k1, (N_NODES, 128), dtype=jnp.float32)
    edge_index = jax.random.randint(k2, (2, 320000), 0, N_NODES, dtype=jnp.int64)
    W1 = jax.random.normal(k3, (128, 64), dtype=jnp.float32) * (1.0 / np.sqrt(128))
    b1 = jnp.zeros((64,), dtype=jnp.float32)
    W2 = jax.random.normal(k4, (64, 1), dtype=jnp.float32) * (1.0 / np.sqrt(64))
    b2 = jnp.zeros((1,), dtype=jnp.float32)
    return {"x": x, "edge_index": edge_index, "W1": W1, "b1": b1, "W2": W2, "b2": b2}


def reference(x, edge_index, W1, b1, W2, b2):
    h = gcn_conv(x, edge_index, W1, b1, N_NODES)
    h = jax.nn.relu(h)
    # dropout is identity in eval mode
    out = gcn_conv(h, edge_index, W2, b2, N_NODES)
    return jnp.squeeze(out, axis=-1)

if __name__ == "__main__":
    import jax
    _d = setup_inputs()
    print(jax.jit(kernel)(*tuple(_d.values())))

</pallas_src>

<mosaic_0001>
#map = affine_map<(d0, d1) -> (0, 0)>
#map1 = affine_map<(d0, d1) -> (0, 0, 0)>
module attributes {stable_mosaic.version = 14 : i64} {
  func.func @_deg_body(%arg0: i32, %arg1: i32, %arg2: memref<32x10240xi32, #tpu.memory_space<hbm>>, %arg3: memref<2x80x128xf32, #tpu.memory_space<hbm>>, %arg4: memref<10240xi32, #tpu.memory_space<vmem>>, %arg5: memref<80x128xf32, #tpu.memory_space<vmem>>, %arg6: memref<80x128xf32, #tpu.memory_space<vmem_shared>>) attributes {dimension_semantics = [#tpu.dimension_semantics<core_parallel>, #tpu.dimension_semantics<subcore_parallel>], iteration_bounds = array<i64: 2, 16>, scalar_prefetch = 0 : i64, scratch_operands = 3 : i64, tpu.core_type = #tpu.core_type<sc_vector_subcore>, window_params = [{transform_indices = #map}, {transform_indices = #map1}]} {
    %mul3A = arith.constant 16 : i32
    %mul3A_0 = arith.muli %arg0, %mul3A : i32
    %add3A = arith.addi %mul3A_0, %arg1 : i32
    "tpu.region"() ({
      %run_scoped3A = tpu.sem_alloc : memref<!tpu.dma_semaphore, #tpu.memory_space<semaphore_mem>>
      %dma_start3A = arith.constant 0 : i32
      %dma_start3A_39 = tpu.memref_slice %arg2[%add3A, %dma_start3A] : memref<32x10240xi32, #tpu.memory_space<hbm>> -> memref<1x10240xi32, #tpu.memory_space<hbm>>
      %dma_start3A_40 = tpu.memref_squeeze %dma_start3A_39 : memref<1x10240xi32, #tpu.memory_space<hbm>> -> memref<10240xi32, #tpu.memory_space<hbm>>
      %dma_start3A_41 = arith.constant 0 : i32
      %dma_start3A_42 = tpu.memref_slice %arg2[%add3A, %dma_start3A_41] : memref<32x10240xi32, #tpu.memory_space<hbm>> -> memref<1x10240xi32, #tpu.memory_space<hbm>>
      %dma_start3A_43 = tpu.memref_squeeze %dma_start3A_42 : memref<1x10240xi32, #tpu.memory_space<hbm>> -> memref<10240xi32, #tpu.memory_space<hbm>>
      tpu.enqueue_dma source(%dma_start3A_43 : memref<10240xi32, #tpu.memory_space<hbm>>) target(%arg4 : memref<10240xi32, #tpu.memory_space<vmem>>) target_semaphore(%run_scoped3A : memref<!tpu.dma_semaphore, #tpu.memory_space<semaphore_mem>>)
      %dma_wait3A = arith.constant 0 : i32
      %dma_wait3A_44 = tpu.memref_slice %arg2[%add3A, %dma_wait3A] : memref<32x10240xi32, #tpu.memory_space<hbm>> -> memref<1x10240xi32, #tpu.memory_space<hbm>>
      %dma_wait3A_45 = tpu.memref_squeeze %dma_wait3A_44 : memref<1x10240xi32, #tpu.memory_space<hbm>> -> memref<10240xi32, #tpu.memory_space<hbm>>
      %dma_wait3A_46 = arith.constant 0 : i32
      %dma_wait3A_47 = tpu.memref_slice %arg2[%add3A, %dma_wait3A_46] : memref<32x10240xi32, #tpu.memory_space<hbm>> -> memref<1x10240xi32, #tpu.memory_space<hbm>>
      %dma_wait3A_48 = tpu.memref_squeeze %dma_wait3A_47 : memref<1x10240xi32, #tpu.memory_space<hbm>> -> memref<10240xi32, #tpu.memory_space<hbm>>
      tpu.wait_dma2 semaphore(%run_scoped3A : memref<!tpu.dma_semaphore, #tpu.memory_space<semaphore_mem>>) src(%dma_wait3A_48 : memref<10240xi32, #tpu.memory_space<hbm>>) dst(%arg4 : memref<10240xi32, #tpu.memory_space<vmem>>)
      tpu.yield
    }) : () -> ()
    %scan3A = arith.constant 0 : i32
    %scan3A_1 = arith.constant 0 : i32
    %scan3A_2 = arith.constant 160 : i32
    %scan3A_3 = arith.addi %scan3A_1, %scan3A_2 : i32
    %scan3A_4 = arith.constant 1 : i32
    %scan3A_5 = scf.for %scan3A_39 = %scan3A_1 to %scan3A_3 step %scan3A_4 iter_args(%scan3A_40 = %scan3A) -> (i32)  : i32 {
      %mul3A_41 = arith.constant 4 : i32
      %mul3A_42 = arith.muli %mul3A_41, %scan3A_39 : i32
      %add3A_43 = arith.constant 0 : i32
      %add3A_44 = arith.addi %mul3A_42, %add3A_43 : i32
      %broadcast_in_dim3A_45 = arith.constant 0.000000e+00 : f32
      %broadcast_in_dim3A_46 = vector.broadcast %broadcast_in_dim3A_45 : f32 to vector<16xf32>
      %jit3A = arith.constant 8 : i32
      %div3A = arith.divsi %add3A_44, %jit3A : i32
      %sign3A = arith.constant 0 : i32
      %sign3A_47 = arith.cmpi sgt, %add3A_44, %sign3A : i32
      %sign3A_48 = arith.extui %sign3A_47 : i1 to i32
      %sign3A_49 = arith.constant 0 : i32
      %sign3A_50 = arith.cmpi slt, %add3A_44, %sign3A_49 : i32
      %sign3A_51 = arith.extui %sign3A_50 : i1 to i32
      %sign3A_52 = arith.subi %sign3A_48, %sign3A_51 : i32
      %sign3A_53 = arith.constant 0 : i32
      %sign3A_54 = arith.cmpi sgt, %jit3A, %sign3A_53 : i32
      %sign3A_55 = arith.extui %sign3A_54 : i1 to i32
      %sign3A_56 = arith.constant 0 : i32
      %sign3A_57 = arith.cmpi slt, %jit3A, %sign3A_56 : i32
      %sign3A_58 = arith.extui %sign3A_57 : i1 to i32
      %sign3A_59 = arith.subi %sign3A_55, %sign3A_58 : i32
      %ne3A = arith.cmpi ne, %sign3A_52, %sign3A_59 : i32
      %rem3A = arith.remsi %add3A_44, %jit3A : i32
      %ne3A_60 = arith.constant 0 : i32
      %ne3A_61 = arith.cmpi ne, %rem3A, %ne3A_60 : i32
      %and3A = arith.andi %ne3A, %ne3A_61 : i1
      %sub3A = arith.constant 1 : i32
      %sub3A_62 = arith.subi %div3A, %sub3A : i32
      %select_n3A = arith.select %and3A, %sub3A_62, %div3A : i32
      %jit3A_63 = arith.constant 8 : i32
      %eq3A = arith.constant 0 : i32
      %eq3A_64 = arith.cmpi eq, %jit3A_63, %eq3A : i32
      %jit3A_65 = arith.constant 1 : i32
      %select_n3A_66 = arith.select %eq3A_64, %jit3A_65, %jit3A_63 : i32
      %rem3A_67 = arith.remsi %add3A_44, %select_n3A_66 : i32
      %ne3A_68 = arith.constant 0 : i32
      %ne3A_69 = arith.cmpi ne, %rem3A_67, %ne3A_68 : i32
      %lt3A = arith.constant 0 : i32
      %lt3A_70 = arith.cmpi slt, %rem3A_67, %lt3A : i32
      %lt3A_71 = arith.constant 0 : i32
      %lt3A_72 = arith.cmpi slt, %select_n3A_66, %lt3A_71 : i32
      %ne3A_73 = arith.xori %lt3A_70, %lt3A_72 : i1
      %and3A_74 = arith.andi %ne3A_73, %ne3A_69 : i1
      %add3A_75 = arith.addi %rem3A_67, %select_n3A_66 : i32
      %select_n3A_76 = arith.select %and3A_74, %add3A_75, %rem3A_67 : i32
      %mul3A_77 = arith.constant 16 : i32
      %mul3A_78 = arith.muli %select_n3A_76, %mul3A_77 : i32
      %multiple_of3A = tpu.assume_multiple %mul3A_78, 16 : i32
      %swap3A = arith.index_cast %select_n3A : i32 to index
      %swap3A_79 = arith.index_cast %multiple_of3A : i32 to index
      %swap3A_80 = tpu.vector_load %arg5[%swap3A, %swap3A_79] {strides = array<i32>} : memref<80x128xf32, #tpu.memory_space<vmem>>, vector<16xf32>,
      tpu.vector_store %arg5[%swap3A, %swap3A_79], %broadcast_in_dim3A_46 {strides = array<i32>} : memref<80x128xf32, #tpu.memory_space<vmem>>, vector<16xf32>,
      %mul3A_81 = arith.constant 4 : i32
      %mul3A_82 = arith.muli %mul3A_81, %scan3A_39 : i32
      %add3A_83 = arith.constant 1 : i32
      %add3A_84 = arith.addi %mul3A_82, %add3A_83 : i32
      %broadcast_in_dim3A_85 = arith.constant 0.000000e+00 : f32
      %broadcast_in_dim3A_86 = vector.broadcast %broadcast_in_dim3A_85 : f32 to vector<16xf32>
      %jit3A_87 = arith.constant 8 : i32
      %div3A_88 = arith.divsi %add3A_84, %jit3A_87 : i32
      %sign3A_89 = arith.constant 0 : i32
      %sign3A_90 = arith.cmpi sgt, %add3A_84, %sign3A_89 : i32
      %sign3A_91 = arith.extui %sign3A_90 : i1 to i32
      %sign3A_92 = arith.constant 0 : i32
      %sign3A_93 = arith.cmpi slt, %add3A_84, %sign3A_92 : i32
      %sign3A_94 = arith.extui %sign3A_93 : i1 to i32
      %sign3A_95 = arith.subi %sign3A_91, %sign3A_94 : i32
      %sign3A_96 = arith.constant 0 : i32
      %sign3A_97 = arith.cmpi sgt, %jit3A_87, %sign3A_96 : i32
      %sign3A_98 = arith.extui %sign3A_97 : i1 to i32
      %sign3A_99 = arith.constant 0 : i32
      %sign3A_100 = arith.cmpi slt, %jit3A_87, %sign3A_99 : i32
      %sign3A_101 = arith.extui %sign3A_100 : i1 to i32
      %sign3A_102 = arith.subi %sign3A_98, %sign3A_101 : i32
      %ne3A_103 = arith.cmpi ne, %sign3A_95, %sign3A_102 : i32
      %rem3A_104 = arith.remsi %add3A_84, %jit3A_87 : i32
      %ne3A_105 = arith.constant 0 : i32
      %ne3A_106 = arith.cmpi ne, %rem3A_104, %ne3A_105 : i32
      %and3A_107 = arith.andi %ne3A_103, %ne3A_106 : i1
      %sub3A_108 = arith.constant 1 : i32
      %sub3A_109 = arith.subi %div3A_88, %sub3A_108 : i32
      %select_n3A_110 = arith.select %and3A_107, %sub3A_109, %div3A_88 : i32
      %jit3A_111 = arith.constant 8 : i32
      %eq3A_112 = arith.constant 0 : i32
      %eq3A_113 = arith.cmpi eq, %jit3A_111, %eq3A_112 : i32
      %jit3A_114 = arith.constant 1 : i32
      %select_n3A_115 = arith.select %eq3A_113, %jit3A_114, %jit3A_111 : i32
      %rem3A_116 = arith.remsi %add3A_84, %select_n3A_115 : i32
      %ne3A_117 = arith.constant 0 : i32
      %ne3A_118 = arith.cmpi ne, %rem3A_116, %ne3A_117 : i32
      %lt3A_119 = arith.constant 0 : i32
      %lt3A_120 = arith.cmpi slt, %rem3A_116, %lt3A_119 : i32
      %lt3A_121 = arith.constant 0 : i32
      %lt3A_122 = arith.cmpi slt, %select_n3A_115, %lt3A_121 : i32
      %ne3A_123 = arith.xori %lt3A_120, %lt3A_122 : i1
      %and3A_124 = arith.andi %ne3A_123, %ne3A_118 : i1
      %add3A_125 = arith.addi %rem3A_116, %select_n3A_115 : i32
      %select_n3A_126 = arith.select %and3A_124, %add3A_125, %rem3A_116 : i32
      %mul3A_127 = arith.constant 16 : i32
      %mul3A_128 = arith.muli %select_n3A_126, %mul3A_127 : i32
      %multiple_of3A_129 = tpu.assume_multiple %mul3A_128, 16 : i32
      %swap3A_130 = arith.index_cast %select_n3A_110 : i32 to index
      %swap3A_131 = arith.index_cast %multiple_of3A_129 : i32 to index
      %swap3A_132 = tpu.vector_load %arg5[%swap3A_130, %swap3A_131] {strides = array<i32>} : memref<80x128xf32, #tpu.memory_space<vmem>>, vector<16xf32>,
      tpu.vector_store %arg5[%swap3A_130, %swap3A_131], %broadcast_in_dim3A_86 {strides = array<i32>} : memref<80x128xf32, #tpu.memory_space<vmem>>, vector<16xf32>,
      %mul3A_133 = arith.constant 4 : i32
      %mul3A_134 = arith.muli %mul3A_133, %scan3A_39 : i32
      %add3A_135 = arith.constant 2 : i32
      %add3A_136 = arith.addi %mul3A_134, %add3A_135 : i32
      %broadcast_in_dim3A_137 = arith.constant 0.000000e+00 : f32
      %broadcast_in_dim3A_138 = vector.broadcast %broadcast_in_dim3A_137 : f32 to vector<16xf32>
      %jit3A_139 = arith.constant 8 : i32
      %div3A_140 = arith.divsi %add3A_136, %jit3A_139 : i32
      %sign3A_141 = arith.constant 0 : i32
      %sign3A_142 = arith.cmpi sgt, %add3A_136, %sign3A_141 : i32
      %sign3A_143 = arith.extui %sign3A_142 : i1 to i32
      %sign3A_144 = arith.constant 0 : i32
      %sign3A_145 = arith.cmpi slt, %add3A_136, %sign3A_144 : i32
      %sign3A_146 = arith.extui %sign3A_145 : i1 to i32
      %sign3A_147 = arith.subi %sign3A_143, %sign3A_146 : i32
      %sign3A_148 = arith.constant 0 : i32
      %sign3A_149 = arith.cmpi sgt, %jit3A_139, %sign3A_148 : i32
      %sign3A_150 = arith.extui %sign3A_149 : i1 to i32
      %sign3A_151 = arith.constant 0 : i32
      %sign3A_152 = arith.cmpi slt, %jit3A_139, %sign3A_151 : i32
      %sign3A_153 = arith.extui %sign3A_152 : i1 to i32
      %sign3A_154 = arith.subi %sign3A_150, %sign3A_153 : i32
      %ne3A_155 = arith.cmpi ne, %sign3A_147, %sign3A_154 : i32
      %rem3A_156 = arith.remsi %add3A_136, %jit3A_139 : i32
      %ne3A_157 = arith.constant 0 : i32
      %ne3A_158 = arith.cmpi ne, %rem3A_156, %ne3A_157 : i32
      %and3A_159 = arith.andi %ne3A_155, %ne3A_158 : i1
      %sub3A_160 = arith.constant 1 : i32
      %sub3A_161 = arith.subi %div3A_140, %sub3A_160 : i32
      %select_n3A_162 = arith.select %and3A_159, %sub3A_161, %div3A_140 : i32
      %jit3A_163 = arith.constant 8 : i32
      %eq3A_164 = arith.constant 0 : i32
      %eq3A_165 = arith.cmpi eq, %jit3A_163, %eq3A_164 : i32
      %jit3A_166 = arith.constant 1 : i32
      %select_n3A_167 = arith.select %eq3A_165, %jit3A_166, %jit3A_163 : i32
      %rem3A_168 = arith.remsi %add3A_136, %select_n3A_167 : i32
      %ne3A_169 = arith.constant 0 : i32
      %ne3A_170 = arith.cmpi ne, %rem3A_168, %ne3A_169 : i32
      %lt3A_171 = arith.constant 0 : i32
      %lt3A_172 = arith.cmpi slt, %rem3A_168, %lt3A_171 : i32
      %lt3A_173 = arith.constant 0 : i32
      %lt3A_174 = arith.cmpi slt, %select_n3A_167, %lt3A_173 : i32
      %ne3A_175 = arith.xori %lt3A_172, %lt3A_174 : i1
      %and3A_176 = arith.andi %ne3A_175, %ne3A_170 : i1
      %add3A_177 = arith.addi %rem3A_168, %select_n3A_167 : i32
      %select_n3A_178 = arith.select %and3A_176, %add3A_177, %rem3A_168 : i32
      %mul3A_179 = arith.constant 16 : i32
      %mul3A_180 = arith.muli %select_n3A_178, %mul3A_179 : i32
      %multiple_of3A_181 = tpu.assume_multiple %mul3A_180, 16 : i32
      %swap3A_182 = arith.index_cast %select_n3A_162 : i32 to index
      %swap3A_183 = arith.index_cast %multiple_of3A_181 : i32 to index
      %swap3A_184 = tpu.vector_load %arg5[%swap3A_182, %swap3A_183] {strides = array<i32>} : memref<80x128xf32, #tpu.memory_space<vmem>>, vector<16xf32>,
      tpu.vector_store %arg5[%swap3A_182, %swap3A_183], %broadcast_in_dim3A_138 {strides = array<i32>} : memref<80x128xf32, #tpu.memory_space<vmem>>, vector<16xf32>,
      %mul3A_185 = arith.constant 4 : i32
      %mul3A_186 = arith.muli %mul3A_185, %scan3A_39 : i32
      %add3A_187 = arith.constant 3 : i32
      %add3A_188 = arith.addi %mul3A_186, %add3A_187 : i32
      %broadcast_in_dim3A_189 = arith.constant 0.000000e+00 : f32
      %broadcast_in_dim3A_190 = vector.broadcast %broadcast_in_dim3A_189 : f32 to vector<16xf32>
      %jit3A_191 = arith.constant 8 : i32
      %div3A_192 = arith.divsi %add3A_188, %jit3A_191 : i32
      %sign3A_193 = arith.constant 0 : i32
      %sign3A_194 = arith.cmpi sgt, %add3A_188, %sign3A_193 : i32
      %sign3A_195 = arith.extui %sign3A_194 : i1 to i32
      %sign3A_196 = arith.constant 0 : i32
      %sign3A_197 = arith.cmpi slt, %add3A_188, %sign3A_196 : i32
      %sign3A_198 = arith.extui %sign3A_197 : i1 to i32
      %sign3A_199 = arith.subi %sign3A_195, %sign3A_198 : i32
      %sign3A_200 = arith.constant 0 : i32
      %sign3A_201 = arith.cmpi sgt, %jit3A_191, %sign3A_200 : i32
      %sign3A_202 = arith.extui %sign3A_201 : i1 to i32
      %sign3A_203 = arith.constant 0 : i32
      %sign3A_204 = arith.cmpi slt, %jit3A_191, %sign3A_203 : i32
      %sign3A_205 = arith.extui %sign3A_204 : i1 to i32
      %sign3A_206 = arith.subi %sign3A_202, %sign3A_205 : i32
      %ne3A_207 = arith.cmpi ne, %sign3A_199, %sign3A_206 : i32
      %rem3A_208 = arith.remsi %add3A_188, %jit3A_191 : i32
      %ne3A_209 = arith.constant 0 : i32
      %ne3A_210 = arith.cmpi ne, %rem3A_208, %ne3A_209 : i32
      %and3A_211 = arith.andi %ne3A_207, %ne3A_210 : i1
      %sub3A_212 = arith.constant 1 : i32
      %sub3A_213 = arith.subi %div3A_192, %sub3A_212 : i32
      %select_n3A_214 = arith.select %and3A_211, %sub3A_213, %div3A_192 : i32
      %jit3A_215 = arith.constant 8 : i32
      %eq3A_216 = arith.constant 0 : i32
      %eq3A_217 = arith.cmpi eq, %jit3A_215, %eq3A_216 : i32
      %jit3A_218 = arith.constant 1 : i32
      %select_n3A_219 = arith.select %eq3A_217, %jit3A_218, %jit3A_215 : i32
      %rem3A_220 = arith.remsi %add3A_188, %select_n3A_219 : i32
      %ne3A_221 = arith.constant 0 : i32
      %ne3A_222 = arith.cmpi ne, %rem3A_220, %ne3A_221 : i32
      %lt3A_223 = arith.constant 0 : i32
      %lt3A_224 = arith.cmpi slt, %rem3A_220, %lt3A_223 : i32
      %lt3A_225 = arith.constant 0 : i32
      %lt3A_226 = arith.cmpi slt, %select_n3A_219, %lt3A_225 : i32
      %ne3A_227 = arith.xori %lt3A_224, %lt3A_226 : i1
      %and3A_228 = arith.andi %ne3A_227, %ne3A_222 : i1
      %add3A_229 = arith.addi %rem3A_220, %select_n3A_219 : i32
      %select_n3A_230 = arith.select %and3A_228, %add3A_229, %rem3A_220 : i32
      %mul3A_231 = arith.constant 16 : i32
      %mul3A_232 = arith.muli %select_n3A_230, %mul3A_231 : i32
      %multiple_of3A_233 = tpu.assume_multiple %mul3A_232, 16 : i32
      %swap3A_234 = arith.index_cast %select_n3A_214 : i32 to index
      %swap3A_235 = arith.index_cast %multiple_of3A_233 : i32 to index
      %swap3A_236 = tpu.vector_load %arg5[%swap3A_234, %swap3A_235] {strides = array<i32>} : memref<80x128xf32, #tpu.memory_space<vmem>>, vector<16xf32>,
      tpu.vector_store %arg5[%swap3A_234, %swap3A_235], %broadcast_in_dim3A_190 {strides = array<i32>} : memref<80x128xf32, #tpu.memory_space<vmem>>, vector<16xf32>,
      %scan3A_237 = arith.constant 0 : i32
      scf.yield %scan3A_237 : i32
    }
    %scan3A_6 = arith.constant 160 : i32
    %mul3A_7 = arith.constant 5 : i32
    %mul3A_8 = arith.muli %arg1, %mul3A_7 : i32
    %mul3A_9 = arith.constant 5 : i32
    %mul3A_10 = arith.muli %arg1, %mul3A_9 : i32
    "tpu.region"() ({
      %run_scoped3A = tpu.sem_alloc : memref<!tpu.dma_semaphore, #tpu.memory_space<semaphore_mem>>
      %dma_start3A = arith.constant 0 : i32
      %dma_start3A_39 = tpu.memref_slice %arg5[%mul3A_8, %dma_start3A] : memref<80x128xf32, #tpu.memory_space<vmem>> -> memref<5x128xf32, #tpu.memory_space<vmem>>
      %dma_start3A_40 = arith.constant 0 : i32
      %dma_start3A_41 = tpu.memref_slice %arg6[%mul3A_10, %dma_start3A_40] : memref<80x128xf32, #tpu.memory_space<vmem_shared>> -> memref<5x128xf32, #tpu.memory_space<vmem_shared>>
      %dma_start3A_42 = arith.constant 0 : i32
      %dma_start3A_43 = tpu.memref_slice %arg6[%mul3A_10, %dma_start3A_42] : memref<80x128xf32, #tpu.memory_space<vmem_shared>> -> memref<5x128xf32, #tpu.memory_space<vmem_shared>>
      %dma_start3A_44 = arith.constant 0 : i32
      %dma_start3A_45 = tpu.memref_slice %arg5[%mul3A_8, %dma_start3A_44] : memref<80x128xf32, #tpu.memory_space<vmem>> -> memref<5x128xf32, #tpu.memory_space<vmem>>
      tpu.enqueue_dma source(%dma_start3A_45 : memref<5x128xf32, #tpu.memory_space<vmem>>) target(%dma_start3A_43 : memref<5x128xf32, #tpu.memory_space<vmem_shared>>) target_semaphore(%run_scoped3A : memref<!tpu.dma_semaphore, #tpu.memory_space<semaphore_mem>>)
      %dma_wait3A = arith.constant 0 : i32
      %dma_wait3A_46 = tpu.memref_slice %arg5[%mul3A_8, %dma_wait3A] : memref<80x128xf32, #tpu.memory_space<vmem>> -> memref<5x128xf32, #tpu.memory_space<vmem>>
      %dma_wait3A_47 = arith.constant 0 : i32
      %dma_wait3A_48 = tpu.memref_slice %arg6[%mul3A_10, %dma_wait3A_47] : memref<80x128xf32, #tpu.memory_space<vmem_shared>> -> memref<5x128xf32, #tpu.memory_space<vmem_shared>>
      %dma_wait3A_49 = arith.constant 0 : i32
      %dma_wait3A_50 = tpu.memref_slice %arg6[%mul3A_10, %dma_wait3A_49] : memref<80x128xf32, #tpu.memory_space<vmem_shared>> -> memref<5x128xf32, #tpu.memory_space<vmem_shared>>
      %dma_wait3A_51 = arith.constant 0 : i32
      %dma_wait3A_52 = tpu.memref_slice %arg5[%mul3A_8, %dma_wait3A_51] : memref<80x128xf32, #tpu.memory_space<vmem>> -> memref<5x128xf32, #tpu.memory_space<vmem>>
      tpu.wait_dma2 semaphore(%run_scoped3A : memref<!tpu.dma_semaphore, #tpu.memory_space<semaphore_mem>>) src(%dma_wait3A_52 : memref<5x128xf32, #tpu.memory_space<vmem>>) dst(%dma_wait3A_50 : memref<5x128xf32, #tpu.memory_space<vmem_shared>>)
      tpu.yield
    }) : () -> ()
    %barrier3A = arith.constant 0 : index
    tpu.barrier barrier_id(%barrier3A)
    %broadcast_in_dim3A = arith.constant 1.000000e+00 : f32
    %broadcast_in_dim3A_11 = vector.broadcast %broadcast_in_dim3A : f32 to vector<16xf32>
    %scan3A_12 = arith.constant 0 : i32
    %scan3A_13 = arith.constant 0 : i32
    %scan3A_14 = arith.constant 160 : i32
    %scan3A_15 = arith.addi %scan3A_13, %scan3A_14 : i32
    %scan3A_16 = arith.constant 1 : i32
    %scan3A_17 = scf.for %scan3A_39 = %scan3A_13 to %scan3A_15 step %scan3A_16 iter_args(%scan3A_40 = %scan3A_12) -> (i32)  : i32 {
      %mul3A_41 = arith.constant 4 : i32
      %mul3A_42 = arith.muli %mul3A_41, %scan3A_39 : i32
      %add3A_43 = arith.constant 0 : i32
      %add3A_44 = arith.addi %mul3A_42, %add3A_43 : i32
      %mul3A_45 = arith.constant 16 : i32
      %mul3A_46 = arith.muli %add3A_44, %mul3A_45 : i32
      %multiple_of3A = tpu.assume_multiple %mul3A_46, 16 : i32
      %get3A = arith.index_cast %multiple_of3A : i32 to index
      %get3A_47 = tpu.vector_load %arg4[%get3A] {strides = array<i32>} : memref<10240xi32, #tpu.memory_space<vmem>>, vector<16xi32>,
      %shift_right_logical3A = arith.constant 7 : i32
      %shift_right_logical3A_48 = vector.broadcast %shift_right_logical3A : i32 to vector<16xi32>
      %shift_right_logical3A_49 = arith.shrui %get3A_47, %shift_right_logical3A_48 : vector<16xi32>
      %and3A = arith.constant 127 : i32
      %and3A_50 = vector.broadcast %and3A : i32 to vector<16xi32>
      %and3A_51 = arith.andi %get3A_47, %and3A_50 : vector<16xi32>
      tpu.vector_store_idx %arg5[%shift_right_logical3A_49, %and3A_51], %broadcast_in_dim3A_11 {add = true} : memref<80x128xf32, #tpu.memory_space<vmem>>[vector<16xi32>, vector<16xi32>], vector<16xf32>,
      %mul3A_52 = arith.constant 4 : i32
      %mul3A_53 = arith.muli %mul3A_52, %scan3A_39 : i32
      %add3A_54 = arith.constant 1 : i32
      %add3A_55 = arith.addi %mul3A_53, %add3A_54 : i32
      %mul3A_56 = arith.constant 16 : i32
      %mul3A_57 = arith.muli %add3A_55, %mul3A_56 : i32
      %multiple_of3A_58 = tpu.assume_multiple %mul3A_57, 16 : i32
      %get3A_59 = arith.index_cast %multiple_of3A_58 : i32 to index
      %get3A_60 = tpu.vector_load %arg4[%get3A_59] {strides = array<i32>} : memref<10240xi32, #tpu.memory_space<vmem>>, vector<16xi32>,
      %shift_right_logical3A_61 = arith.constant 7 : i32
      %shift_right_logical3A_62 = vector.broadcast %shift_right_logical3A_61 : i32 to vector<16xi32>
      %shift_right_logical3A_63 = arith.shrui %get3A_60, %shift_right_logical3A_62 : vector<16xi32>
      %and3A_64 = arith.constant 127 : i32
      %and3A_65 = vector.broadcast %and3A_64 : i32 to vector<16xi32>
      %and3A_66 = arith.andi %get3A_60, %and3A_65 : vector<16xi32>
      tpu.vector_store_idx %arg5[%shift_right_logical3A_63, %and3A_66], %broadcast_in_dim3A_11 {add = true} : memref<80x128xf32, #tpu.memory_space<vmem>>[vector<16xi32>, vector<16xi32>], vector<16xf32>,
      %mul3A_67 = arith.constant 4 : i32
      %mul3A_68 = arith.muli %mul3A_67, %scan3A_39 : i32
      %add3A_69 = arith.constant 2 : i32
      %add3A_70 = arith.addi %mul3A_68, %add3A_69 : i32
      %mul3A_71 = arith.constant 16 : i32
      %mul3A_72 = arith.muli %add3A_70, %mul3A_71 : i32
      %multiple_of3A_73 = tpu.assume_multiple %mul3A_72, 16 : i32
      %get3A_74 = arith.index_cast %multiple_of3A_73 : i32 to index
      %get3A_75 = tpu.vector_load %arg4[%get3A_74] {strides = array<i32>} : memref<10240xi32, #tpu.memory_space<vmem>>, vector<16xi32>,
      %shift_right_logical3A_76 = arith.constant 7 : i32
      %shift_right_logical3A_77 = vector.broadcast %shift_right_logical3A_76 : i32 to vector<16xi32>
      %shift_right_logical3A_78 = arith.shrui %get3A_75, %shift_right_logical3A_77 : vector<16xi32>
      %and3A_79 = arith.constant 127 : i32
      %and3A_80 = vector.broadcast %and3A_79 : i32 to vector<16xi32>
      %and3A_81 = arith.andi %get3A_75, %and3A_80 : vector<16xi32>
      tpu.vector_store_idx %arg5[%shift_right_logical3A_78, %and3A_81], %broadcast_in_dim3A_11 {add = true} : memref<80x128xf32, #tpu.memory_space<vmem>>[vector<16xi32>, vector<16xi32>], vector<16xf32>,
      %mul3A_82 = arith.constant 4 : i32
      %mul3A_83 = arith.muli %mul3A_82, %scan3A_39 : i32
      %add3A_84 = arith.constant 3 : i32
      %add3A_85 = arith.addi %mul3A_83, %add3A_84 : i32
      %mul3A_86 = arith.constant 16 : i32
      %mul3A_87 = arith.muli %add3A_85, %mul3A_86 : i32
      %multiple_of3A_88 = tpu.assume_multiple %mul3A_87, 16 : i32
      %get3A_89 = arith.index_cast %multiple_of3A_88 : i32 to index
      %get3A_90 = tpu.vector_load %arg4[%get3A_89] {strides = array<i32>} : memref<10240xi32, #tpu.memory_space<vmem>>, vector<16xi32>,
      %shift_right_logical3A_91 = arith.constant 7 : i32
      %shift_right_logical3A_92 = vector.broadcast %shift_right_logical3A_91 : i32 to vector<16xi32>
      %shift_right_logical3A_93 = arith.shrui %get3A_90, %shift_right_logical3A_92 : vector<16xi32>
      %and3A_94 = arith.constant 127 : i32
      %and3A_95 = vector.broadcast %and3A_94 : i32 to vector<16xi32>
      %and3A_96 = arith.andi %get3A_90, %and3A_95 : vector<16xi32>
      tpu.vector_store_idx %arg5[%shift_right_logical3A_93, %and3A_96], %broadcast_in_dim3A_11 {add = true} : memref<80x128xf32, #tpu.memory_space<vmem>>[vector<16xi32>, vector<16xi32>], vector<16xf32>,
      %scan3A_97 = arith.constant 0 : i32
      scf.yield %scan3A_97 : i32
    }
    %scan3A_18 = arith.constant 160 : i32
    %iota3A = tpu.iota {dimensions = array<i32: 0>} : vector<16xi32>
    %add3A_19 = arith.constant 0 : i32
    %add3A_20 = vector.broadcast %add3A_19 : i32 to vector<16xi32>
    %add3A_21 = arith.addi %iota3A, %add3A_20 : vector<16xi32>
    "tpu.region"() ({
      %run_scoped3A = tpu.sem_alloc : memref<!tpu.dma_semaphore, #tpu.memory_space<semaphore_mem>>
      %dma_start3A = arith.constant 0 : i32
      %dma_start3A_39 = arith.constant 0 : i32
      %dma_start3A_40 = tpu.memref_slice %arg5[%dma_start3A, %dma_start3A_39] : memref<80x128xf32, #tpu.memory_space<vmem>> -> memref<16x128xf32, #tpu.memory_space<vmem>>
      %dma_start3A_41 = arith.constant 0 : i32
      %dma_start3A_42 = arith.constant 0 : i32
      %dma_start3A_43 = tpu.memref_slice %arg6[%dma_start3A_41, %dma_start3A_42] : memref<80x128xf32, #tpu.memory_space<vmem_shared>> -> memref<80x128xf32, #tpu.memory_space<vmem_shared>>
      tpu.enqueue_indirect_dma source(%dma_start3A_40 : memref<16x128xf32, #tpu.memory_space<vmem>>) target(%dma_start3A_43 : memref<80x128xf32, #tpu.memory_space<vmem_shared>>) offsets(%add3A_21 : vector<16xi32>) semaphore(%run_scoped3A : memref<!tpu.dma_semaphore, #tpu.memory_space<semaphore_mem>>) {add = true}
      %dma_wait3A = arith.constant 0 : i32
      %dma_wait3A_44 = arith.constant 0 : i32
      %dma_wait3A_45 = tpu.memref_slice %arg5[%dma_wait3A, %dma_wait3A_44] : memref<80x128xf32, #tpu.memory_space<vmem>> -> memref<16x128xf32, #tpu.memory_space<vmem>>
      %dma_wait3A_46 = arith.constant 0 : i32
      %dma_wait3A_47 = arith.constant 0 : i32
      %dma_wait3A_48 = tpu.memref_slice %arg6[%dma_wait3A_46, %dma_wait3A_47] : memref<80x128xf32, #tpu.memory_space<vmem_shared>> -> memref<80x128xf32, #tpu.memory_space<vmem_shared>>
      tpu.wait_indirect_dma semaphore(%run_scoped3A : memref<!tpu.dma_semaphore, #tpu.memory_space<semaphore_mem>>) src(%dma_wait3A_45 : memref<16x128xf32, #tpu.memory_space<vmem>>) dst(%dma_wait3A_48 : memref<80x128xf32, #tpu.memory_space<vmem_shared>>)
      tpu.yield
    }) : () -> ()
    %add3A_22 = arith.constant 16 : i32
    %add3A_23 = vector.broadcast %add3A_22 : i32 to vector<16xi32>
    %add3A_24 = arith.addi %iota3A, %add3A_23 : vector<16xi32>
    "tpu.region"() ({
      %run_scoped3A = tpu.sem_alloc : memref<!tpu.dma_semaphore, #tpu.memory_space<semaphore_mem>>
      %dma_start3A = arith.constant 16 : i32
      %dma_start3A_39 = arith.constant 0 : i32
      %dma_start3A_40 = tpu.memref_slice %arg5[%dma_start3A, %dma_start3A_39] : memref<80x128xf32, #tpu.memory_space<vmem>> -> memref<16x128xf32, #tpu.memory_space<vmem>>
      %dma_start3A_41 = arith.constant 0 : i32
      %dma_start3A_42 = arith.constant 0 : i32
      %dma_start3A_43 = tpu.memref_slice %arg6[%dma_start3A_41, %dma_start3A_42] : memref<80x128xf32, #tpu.memory_space<vmem_shared>> -> memref<80x128xf32, #tpu.memory_space<vmem_shared>>
      tpu.enqueue_indirect_dma source(%dma_start3A_40 : memref<16x128xf32, #tpu.memory_space<vmem>>) target(%dma_start3A_43 : memref<80x128xf32, #tpu.memory_space<vmem_shared>>) offsets(%add3A_24 : vector<16xi32>) semaphore(%run_scoped3A : memref<!tpu.dma_semaphore, #tpu.memory_space<semaphore_mem>>) {add = true}
      %dma_wait3A = arith.constant 16 : i32
      %dma_wait3A_44 = arith.constant 0 : i32
      %dma_wait3A_45 = tpu.memref_slice %arg5[%dma_wait3A, %dma_wait3A_44] : memref<80x128xf32, #tpu.memory_space<vmem>> -> memref<16x128xf32, #tpu.memory_space<vmem>>
      %dma_wait3A_46 = arith.constant 0 : i32
      %dma_wait3A_47 = arith.constant 0 : i32
      %dma_wait3A_48 = tpu.memref_slice %arg6[%dma_wait3A_46, %dma_wait3A_47] : memref<80x128xf32, #tpu.memory_space<vmem_shared>> -> memref<80x128xf32, #tpu.memory_space<vmem_shared>>
      tpu.wait_indirect_dma semaphore(%run_scoped3A : memref<!tpu.dma_semaphore, #tpu.memory_space<semaphore_mem>>) src(%dma_wait3A_45 : memref<16x128xf32, #tpu.memory_space<vmem>>) dst(%dma_wait3A_48 : memref<80x128xf32, #tpu.memory_space<vmem_shared>>)
      tpu.yield
    }) : () -> ()
    %add3A_25 = arith.constant 32 : i32
    %add3A_26 = vector.broadcast %add3A_25 : i32 to vector<16xi32>
    %add3A_27 = arith.addi %iota3A, %add3A_26 : vector<16xi32>
    "tpu.region"() ({
      %run_scoped3A = tpu.sem_alloc : memref<!tpu.dma_semaphore, #tpu.memory_space<semaphore_mem>>
      %dma_start3A = arith.constant 32 : i32
      %dma_start3A_39 = arith.constant 0 : i32
      %dma_start3A_40 = tpu.memref_slice %arg5[%dma_start3A, %dma_start3A_39] : memref<80x128xf32, #tpu.memory_space<vmem>> -> memref<16x128xf32, #tpu.memory_space<vmem>>
      %dma_start3A_41 = arith.constant 0 : i32
      %dma_start3A_42 = arith.constant 0 : i32
      %dma_start3A_43 = tpu.memref_slice %arg6[%dma_start3A_41, %dma_start3A_42] : memref<80x128xf32, #tpu.memory_space<vmem_shared>> -> memref<80x128xf32, #tpu.memory_space<vmem_shared>>
      tpu.enqueue_indirect_dma source(%dma_start3A_40 : memref<16x128xf32, #tpu.memory_space<vmem>>) target(%dma_start3A_43 : memref<80x128xf32, #tpu.memory_space<vmem_shared>>) offsets(%add3A_27 : vector<16xi32>) semaphore(%run_scoped3A : memref<!tpu.dma_semaphore, #tpu.memory_space<semaphore_mem>>) {add = true}
      %dma_wait3A = arith.constant 32 : i32
      %dma_wait3A_44 = arith.constant 0 : i32
      %dma_wait3A_45 = tpu.memref_slice %arg5[%dma_wait3A, %dma_wait3A_44] : memref<80x128xf32, #tpu.memory_space<vmem>> -> memref<16x128xf32, #tpu.memory_space<vmem>>
      %dma_wait3A_46 = arith.constant 0 : i32
      %dma_wait3A_47 = arith.constant 0 : i32
      %dma_wait3A_48 = tpu.memref_slice %arg6[%dma_wait3A_46, %dma_wait3A_47] : memref<80x128xf32, #tpu.memory_space<vmem_shared>> -> memref<80x128xf32, #tpu.memory_space<vmem_shared>>
      tpu.wait_indirect_dma semaphore(%run_scoped3A : memref<!tpu.dma_semaphore, #tpu.memory_space<semaphore_mem>>) src(%dma_wait3A_45 : memref<16x128xf32, #tpu.memory_space<vmem>>) dst(%dma_wait3A_48 : memref<80x128xf32, #tpu.memory_space<vmem_shared>>)
      tpu.yield
    }) : () -> ()
    %add3A_28 = arith.constant 48 : i32
    %add3A_29 = vector.broadcast %add3A_28 : i32 to vector<16xi32>
    %add3A_30 = arith.addi %iota3A, %add3A_29 : vector<16xi32>
    "tpu.region"() ({
      %run_scoped3A = tpu.sem_alloc : memref<!tpu.dma_semaphore, #tpu.memory_space<semaphore_mem>>
      %dma_start3A = arith.constant 48 : i32
      %dma_start3A_39 = arith.constant 0 : i32
      %dma_start3A_40 = tpu.memref_slice %arg5[%dma_start3A, %dma_start3A_39] : memref<80x128xf32, #tpu.memory_space<vmem>> -> memref<16x128xf32, #tpu.memory_space<vmem>>
      %dma_start3A_41 = arith.constant 0 : i32
      %dma_start3A_42 = arith.constant 0 : i32
      %dma_start3A_43 = tpu.memref_slice %arg6[%dma_start3A_41, %dma_start3A_42] : memref<80x128xf32, #tpu.memory_space<vmem_shared>> -> memref<80x128xf32, #tpu.memory_space<vmem_shared>>
      tpu.enqueue_indirect_dma source(%dma_start3A_40 : memref<16x128xf32, #tpu.memory_space<vmem>>) target(%dma_start3A_43 : memref<80x128xf32, #tpu.memory_space<vmem_shared>>) offsets(%add3A_30 : vector<16xi32>) semaphore(%run_scoped3A : memref<!tpu.dma_semaphore, #tpu.memory_space<semaphore_mem>>) {add = true}
      %dma_wait3A = arith.constant 48 : i32
      %dma_wait3A_44 = arith.constant 0 : i32
      %dma_wait3A_45 = tpu.memref_slice %arg5[%dma_wait3A, %dma_wait3A_44] : memref<80x128xf32, #tpu.memory_space<vmem>> -> memref<16x128xf32, #tpu.memory_space<vmem>>
      %dma_wait3A_46 = arith.constant 0 : i32
      %dma_wait3A_47 = arith.constant 0 : i32
      %dma_wait3A_48 = tpu.memref_slice %arg6[%dma_wait3A_46, %dma_wait3A_47] : memref<80x128xf32, #tpu.memory_space<vmem_shared>> -> memref<80x128xf32, #tpu.memory_space<vmem_shared>>
      tpu.wait_indirect_dma semaphore(%run_scoped3A : memref<!tpu.dma_semaphore, #tpu.memory_space<semaphore_mem>>) src(%dma_wait3A_45 : memref<16x128xf32, #tpu.memory_space<vmem>>) dst(%dma_wait3A_48 : memref<80x128xf32, #tpu.memory_space<vmem_shared>>)
      tpu.yield
    }) : () -> ()
    %add3A_31 = arith.constant 64 : i32
    %add3A_32 = vector.broadcast %add3A_31 : i32 to vector<16xi32>
    %add3A_33 = arith.addi %iota3A, %add3A_32 : vector<16xi32>
    "tpu.region"() ({
      %run_scoped3A = tpu.sem_alloc : memref<!tpu.dma_semaphore, #tpu.memory_space<semaphore_mem>>
      %dma_start3A = arith.constant 64 : i32
      %dma_start3A_39 = arith.constant 0 : i32
      %dma_start3A_40 = tpu.memref_slice %arg5[%dma_start3A, %dma_start3A_39] : memref<80x128xf32, #tpu.memory_space<vmem>> -> memref<16x128xf32, #tpu.memory_space<vmem>>
      %dma_start3A_41 = arith.constant 0 : i32
      %dma_start3A_42 = arith.constant 0 : i32
      %dma_start3A_43 = tpu.memref_slice %arg6[%dma_start3A_41, %dma_start3A_42] : memref<80x128xf32, #tpu.memory_space<vmem_shared>> -> memref<80x128xf32, #tpu.memory_space<vmem_shared>>
      tpu.enqueue_indirect_dma source(%dma_start3A_40 : memref<16x128xf32, #tpu.memory_space<vmem>>) target(%dma_start3A_43 : memref<80x128xf32, #tpu.memory_space<vmem_shared>>) offsets(%add3A_33 : vector<16xi32>) semaphore(%run_scoped3A : memref<!tpu.dma_semaphore, #tpu.memory_space<semaphore_mem>>) {add = true}
      %dma_wait3A = arith.constant 64 : i32
      %dma_wait3A_44 = arith.constant 0 : i32
      %dma_wait3A_45 = tpu.memref_slice %arg5[%dma_wait3A, %dma_wait3A_44] : memref<80x128xf32, #tpu.memory_space<vmem>> -> memref<16x128xf32, #tpu.memory_space<vmem>>
      %dma_wait3A_46 = arith.constant 0 : i32
      %dma_wait3A_47 = arith.constant 0 : i32
      %dma_wait3A_48 = tpu.memref_slice %arg6[%dma_wait3A_46, %dma_wait3A_47] : memref<80x128xf32, #tpu.memory_space<vmem_shared>> -> memref<80x128xf32, #tpu.memory_space<vmem_shared>>
      tpu.wait_indirect_dma semaphore(%run_scoped3A : memref<!tpu.dma_semaphore, #tpu.memory_space<semaphore_mem>>) src(%dma_wait3A_45 : memref<16x128xf32, #tpu.memory_space<vmem>>) dst(%dma_wait3A_48 : memref<80x128xf32, #tpu.memory_space<vmem_shared>>)
      tpu.yield
    }) : () -> ()
    %barrier3A_34 = arith.constant 0 : index
    tpu.barrier barrier_id(%barrier3A_34)
    %mul3A_35 = arith.constant 5 : i32
    %mul3A_36 = arith.muli %arg1, %mul3A_35 : i32
    %mul3A_37 = arith.constant 5 : i32
    %mul3A_38 = arith.muli %arg1, %mul3A_37 : i32
    "tpu.region"() ({
      %run_scoped3A = tpu.sem_alloc : memref<!tpu.dma_semaphore, #tpu.memory_space<semaphore_mem>>
      %dma_start3A = arith.constant 0 : i32
      %dma_start3A_39 = tpu.memref_slice %arg3[%arg0, %mul3A_38, %dma_start3A] : memref<2x80x128xf32, #tpu.memory_space<hbm>> -> memref<1x5x128xf32, #tpu.memory_space<hbm>>
      %dma_start3A_40 = tpu.memref_squeeze %dma_start3A_39 : memref<1x5x128xf32, #tpu.memory_space<hbm>> -> memref<5x128xf32, #tpu.memory_space<hbm>>
      %dma_start3A_41 = arith.constant 0 : i32
      %dma_start3A_42 = tpu.memref_slice %arg6[%mul3A_36, %dma_start3A_41] : memref<80x128xf32, #tpu.memory_space<vmem_shared>> -> memref<5x128xf32, #tpu.memory_space<vmem_shared>>
      tpu.enqueue_dma source(%dma_start3A_42 : memref<5x128xf32, #tpu.memory_space<vmem_shared>>) target(%dma_start3A_40 : memref<5x128xf32, #tpu.memory_space<hbm>>) target_semaphore(%run_scoped3A : memref<!tpu.dma_semaphore, #tpu.memory_space<semaphore_mem>>)
      %dma_wait3A = arith.constant 0 : i32
      %dma_wait3A_43 = tpu.memref_slice %arg3[%arg0, %mul3A_38, %dma_wait3A] : memref<2x80x128xf32, #tpu.memory_space<hbm>> -> memref<1x5x128xf32, #tpu.memory_space<hbm>>
      %dma_wait3A_44 = tpu.memref_squeeze %dma_wait3A_43 : memref<1x5x128xf32, #tpu.memory_space<hbm>> -> memref<5x128xf32, #tpu.memory_space<hbm>>
      %dma_wait3A_45 = arith.constant 0 : i32
      %dma_wait3A_46 = tpu.memref_slice %arg6[%mul3A_36, %dma_wait3A_45] : memref<80x128xf32, #tpu.memory_space<vmem_shared>> -> memref<5x128xf32, #tpu.memory_space<vmem_shared>>
      tpu.wait_dma2 semaphore(%run_scoped3A : memref<!tpu.dma_semaphore, #tpu.memory_space<semaphore_mem>>) src(%dma_wait3A_46 : memref<5x128xf32, #tpu.memory_space<vmem_shared>>) dst(%dma_wait3A_44 : memref<5x128xf32, #tpu.memory_space<hbm>>)
      tpu.yield
    }) : () -> ()
    return
  }
}

#map = affine_map<(d0, d1) -> (0, 0)>
#map1 = affine_map<(d0, d1) -> (0, 0, 0)>
module attributes {stable_mosaic.version = 14 : i64} {
  func.func @_seg_body(%arg0: i32, %arg1: i32, %arg2: memref<80x128xf32, #tpu.memory_space<hbm>>, %arg3: memref<32x10240xi32, #tpu.memory_space<hbm>>, %arg4: memref<32x10240xi32, #tpu.memory_space<hbm>>, %arg5: memref<2x80x128xf32, #tpu.memory_space<hbm>>, %arg6: memref<80x128xf32, #tpu.memory_space<vmem>>, %arg7: memref<10240xi32, #tpu.memory_space<vmem>>, %arg8: memref<10240xi32, #tpu.memory_space<vmem>>, %arg9: memref<80x128xf32, #tpu.memory_space<vmem>>, %arg10: memref<80x128xf32, #tpu.memory_space<vmem_shared>>) attributes {dimension_semantics = [#tpu.dimension_semantics<core_parallel>, #tpu.dimension_semantics<subcore_parallel>], iteration_bounds = array<i64: 2, 16>, scalar_prefetch = 0 : i64, scratch_operands = 5 : i64, tpu.core_type = #tpu.core_type<sc_vector_subcore>, window_params = [{transform_indices = #map}, {transform_indices = #map}, {transform_indices = #map}, {transform_indices = #map1}]} {
    %mul3A = arith.constant 16 : i32
    %mul3A_0 = arith.muli %arg0, %mul3A : i32
    %add3A = arith.addi %mul3A_0, %arg1 : i32
    "tpu.region"() ({
      %run_scoped3A = tpu.sem_alloc : memref<!tpu.dma_semaphore, #tpu.memory_space<semaphore_mem>>
      tpu.enqueue_dma source(%arg2 : memref<80x128xf32, #tpu.memory_space<hbm>>) target(%arg6 : memref<80x128xf32, #tpu.memory_space<vmem>>) target_semaphore(%run_scoped3A : memref<!tpu.dma_semaphore, #tpu.memory_space<semaphore_mem>>)
      tpu.wait_dma2 semaphore(%run_scoped3A : memref<!tpu.dma_semaphore, #tpu.memory_space<semaphore_mem>>) src(%arg2 : memref<80x128xf32, #tpu.memory_space<hbm>>) dst(%arg6 : memref<80x128xf32, #tpu.memory_space<vmem>>)
      tpu.yield
    }) : () -> ()
    "tpu.region"() ({
      %run_scoped3A = tpu.sem_alloc : memref<!tpu.dma_semaphore, #tpu.memory_space<semaphore_mem>>
      %dma_start3A = arith.constant 0 : i32
      %dma_start3A_38 = tpu.memref_slice %arg3[%add3A, %dma_start3A] : memref<32x10240xi32, #tpu.memory_space<hbm>> -> memref<1x10240xi32, #tpu.memory_space<hbm>>
      %dma_start3A_39 = tpu.memref_squeeze %dma_start3A_38 : memref<1x10240xi32, #tpu.memory_space<hbm>> -> memref<10240xi32, #tpu.memory_space<hbm>>
      %dma_start3A_40 = arith.constant 0 : i32
      %dma_start3A_41 = tpu.memref_slice %arg3[%add3A, %dma_start3A_40] : memref<32x10240xi32, #tpu.memory_space<hbm>> -> memref<1x10240xi32, #tpu.memory_space<hbm>>
      %dma_start3A_42 = tpu.memref_squeeze %dma_start3A_41 : memref<1x10240xi32, #tpu.memory_space<hbm>> -> memref<10240xi32, #tpu.memory_space<hbm>>
      tpu.enqueue_dma source(%dma_start3A_42 : memref<10240xi32, #tpu.memory_space<hbm>>) target(%arg7 : memref<10240xi32, #tpu.memory_space<vmem>>) target_semaphore(%run_scoped3A : memref<!tpu.dma_semaphore, #tpu.memory_space<semaphore_mem>>)
      %dma_wait3A = arith.constant 0 : i32
      %dma_wait3A_43 = tpu.memref_slice %arg3[%add3A, %dma_wait3A] : memref<32x10240xi32, #tpu.memory_space<hbm>> -> memref<1x10240xi32, #tpu.memory_space<hbm>>
      %dma_wait3A_44 = tpu.memref_squeeze %dma_wait3A_43 : memref<1x10240xi32, #tpu.memory_space<hbm>> -> memref<10240xi32, #tpu.memory_space<hbm>>
      %dma_wait3A_45 = arith.constant 0 : i32
      %dma_wait3A_46 = tpu.memref_slice %arg3[%add3A, %dma_wait3A_45] : memref<32x10240xi32, #tpu.memory_space<hbm>> -> memref<1x10240xi32, #tpu.memory_space<hbm>>
      %dma_wait3A_47 = tpu.memref_squeeze %dma_wait3A_46 : memref<1x10240xi32, #tpu.memory_space<hbm>> -> memref<10240xi32, #tpu.memory_space<hbm>>
      tpu.wait_dma2 semaphore(%run_scoped3A : memref<!tpu.dma_semaphore, #tpu.memory_space<semaphore_mem>>) src(%dma_wait3A_47 : memref<10240xi32, #tpu.memory_space<hbm>>) dst(%arg7 : memref<10240xi32, #tpu.memory_space<vmem>>)
      tpu.yield
    }) : () -> ()
    "tpu.region"() ({
      %run_scoped3A = tpu.sem_alloc : memref<!tpu.dma_semaphore, #tpu.memory_space<semaphore_mem>>
      %dma_start3A = arith.constant 0 : i32
      %dma_start3A_38 = tpu.memref_slice %arg4[%add3A, %dma_start3A] : memref<32x10240xi32, #tpu.memory_space<hbm>> -> memref<1x10240xi32, #tpu.memory_space<hbm>>
      %dma_start3A_39 = tpu.memref_squeeze %dma_start3A_38 : memref<1x10240xi32, #tpu.memory_space<hbm>> -> memref<10240xi32, #tpu.memory_space<hbm>>
      %dma_start3A_40 = arith.constant 0 : i32
      %dma_start3A_41 = tpu.memref_slice %arg4[%add3A, %dma_start3A_40] : memref<32x10240xi32, #tpu.memory_space<hbm>> -> memref<1x10240xi32, #tpu.memory_space<hbm>>
      %dma_start3A_42 = tpu.memref_squeeze %dma_start3A_41 : memref<1x10240xi32, #tpu.memory_space<hbm>> -> memref<10240xi32, #tpu.memory_space<hbm>>
      tpu.enqueue_dma source(%dma_start3A_42 : memref<10240xi32, #tpu.memory_space<hbm>>) target(%arg8 : memref<10240xi32, #tpu.memory_space<vmem>>) target_semaphore(%run_scoped3A : memref<!tpu.dma_semaphore, #tpu.memory_space<semaphore_mem>>)
      %dma_wait3A = arith.constant 0 : i32
      %dma_wait3A_43 = tpu.memref_slice %arg4[%add3A, %dma_wait3A] : memref<32x10240xi32, #tpu.memory_space<hbm>> -> memref<1x10240xi32, #tpu.memory_space<hbm>>
      %dma_wait3A_44 = tpu.memref_squeeze %dma_wait3A_43 : memref<1x10240xi32, #tpu.memory_space<hbm>> -> memref<10240xi32, #tpu.memory_space<hbm>>
      %dma_wait3A_45 = arith.constant 0 : i32
      %dma_wait3A_46 = tpu.memref_slice %arg4[%add3A, %dma_wait3A_45] : memref<32x10240xi32, #tpu.memory_space<hbm>> -> memref<1x10240xi32, #tpu.memory_space<hbm>>
      %dma_wait3A_47 = tpu.memref_squeeze %dma_wait3A_46 : memref<1x10240xi32, #tpu.memory_space<hbm>> -> memref<10240xi32, #tpu.memory_space<hbm>>
      tpu.wait_dma2 semaphore(%run_scoped3A : memref<!tpu.dma_semaphore, #tpu.memory_space<semaphore_mem>>) src(%dma_wait3A_47 : memref<10240xi32, #tpu.memory_space<hbm>>) dst(%arg8 : memref<10240xi32, #tpu.memory_space<vmem>>)
      tpu.yield
    }) : () -> ()
    %scan3A = arith.constant 0 : i32
    %scan3A_1 = arith.constant 0 : i32
    %scan3A_2 = arith.constant 160 : i32
    %scan3A_3 = arith.addi %scan3A_1, %scan3A_2 : i32
    %scan3A_4 = arith.constant 1 : i32
    %scan3A_5 = scf.for %scan3A_38 = %scan3A_1 to %scan3A_3 step %scan3A_4 iter_args(%scan3A_39 = %scan3A) -> (i32)  : i32 {
      %mul3A_40 = arith.constant 4 : i32
      %mul3A_41 = arith.muli %mul3A_40, %scan3A_38 : i32
      %add3A_42 = arith.constant 0 : i32
      %add3A_43 = arith.addi %mul3A_41, %add3A_42 : i32
      %broadcast_in_dim3A = arith.constant 0.000000e+00 : f32
      %broadcast_in_dim3A_44 = vector.broadcast %broadcast_in_dim3A : f32 to vector<16xf32>
      %jit3A = arith.constant 8 : i32
      %div3A = arith.divsi %add3A_43, %jit3A : i32
      %sign3A = arith.constant 0 : i32
      %sign3A_45 = arith.cmpi sgt, %add3A_43, %sign3A : i32
      %sign3A_46 = arith.extui %sign3A_45 : i1 to i32
      %sign3A_47 = arith.constant 0 : i32
      %sign3A_48 = arith.cmpi slt, %add3A_43, %sign3A_47 : i32
      %sign3A_49 = arith.extui %sign3A_48 : i1 to i32
      %sign3A_50 = arith.subi %sign3A_46, %sign3A_49 : i32
      %sign3A_51 = arith.constant 0 : i32
      %sign3A_52 = arith.cmpi sgt, %jit3A, %sign3A_51 : i32
      %sign3A_53 = arith.extui %sign3A_52 : i1 to i32
      %sign3A_54 = arith.constant 0 : i32
      %sign3A_55 = arith.cmpi slt, %jit3A, %sign3A_54 : i32
      %sign3A_56 = arith.extui %sign3A_55 : i1 to i32
      %sign3A_57 = arith.subi %sign3A_53, %sign3A_56 : i32
      %ne3A = arith.cmpi ne, %sign3A_50, %sign3A_57 : i32
      %rem3A = arith.remsi %add3A_43, %jit3A : i32
      %ne3A_58 = arith.constant 0 : i32
      %ne3A_59 = arith.cmpi ne, %rem3A, %ne3A_58 : i32
      %and3A = arith.andi %ne3A, %ne3A_59 : i1
      %sub3A = arith.constant 1 : i32
      %sub3A_60 = arith.subi %div3A, %sub3A : i32
      %select_n3A = arith.select %and3A, %sub3A_60, %div3A : i32
      %jit3A_61 = arith.constant 8 : i32
      %eq3A = arith.constant 0 : i32
      %eq3A_62 = arith.cmpi eq, %jit3A_61, %eq3A : i32
      %jit3A_63 = arith.constant 1 : i32
      %select_n3A_64 = arith.select %eq3A_62, %jit3A_63, %jit3A_61 : i32
      %rem3A_65 = arith.remsi %add3A_43, %select_n3A_64 : i32
      %ne3A_66 = arith.constant 0 : i32
      %ne3A_67 = arith.cmpi ne, %rem3A_65, %ne3A_66 : i32
      %lt3A = arith.constant 0 : i32
      %lt3A_68 = arith.cmpi slt, %rem3A_65, %lt3A : i32
      %lt3A_69 = arith.constant 0 : i32
      %lt3A_70 = arith.cmpi slt, %select_n3A_64, %lt3A_69 : i32
      %ne3A_71 = arith.xori %lt3A_68, %lt3A_70 : i1
      %and3A_72 = arith.andi %ne3A_71, %ne3A_67 : i1
      %add3A_73 = arith.addi %rem3A_65, %select_n3A_64 : i32
      %select_n3A_74 = arith.select %and3A_72, %add3A_73, %rem3A_65 : i32
      %mul3A_75 = arith.constant 16 : i32
      %mul3A_76 = arith.muli %select_n3A_74, %mul3A_75 : i32
      %multiple_of3A = tpu.assume_multiple %mul3A_76, 16 : i32
      %swap3A = arith.index_cast %select_n3A : i32 to index
      %swap3A_77 = arith.index_cast %multiple_of3A : i32 to index
      %swap3A_78 = tpu.vector_load %arg9[%swap3A, %swap3A_77] {strides = array<i32>} : memref<80x128xf32, #tpu.memory_space<vmem>>, vector<16xf32>,
      tpu.vector_store %arg9[%swap3A, %swap3A_77], %broadcast_in_dim3A_44 {strides = array<i32>} : memref<80x128xf32, #tpu.memory_space<vmem>>, vector<16xf32>,
      %mul3A_79 = arith.constant 4 : i32
      %mul3A_80 = arith.muli %mul3A_79, %scan3A_38 : i32
      %add3A_81 = arith.constant 1 : i32
      %add3A_82 = arith.addi %mul3A_80, %add3A_81 : i32
      %broadcast_in_dim3A_83 = arith.constant 0.000000e+00 : f32
      %broadcast_in_dim3A_84 = vector.broadcast %broadcast_in_dim3A_83 : f32 to vector<16xf32>
      %jit3A_85 = arith.constant 8 : i32
      %div3A_86 = arith.divsi %add3A_82, %jit3A_85 : i32
      %sign3A_87 = arith.constant 0 : i32
      %sign3A_88 = arith.cmpi sgt, %add3A_82, %sign3A_87 : i32
      %sign3A_89 = arith.extui %sign3A_88 : i1 to i32
      %sign3A_90 = arith.constant 0 : i32
      %sign3A_91 = arith.cmpi slt, %add3A_82, %sign3A_90 : i32
      %sign3A_92 = arith.extui %sign3A_91 : i1 to i32
      %sign3A_93 = arith.subi %sign3A_89, %sign3A_92 : i32
      %sign3A_94 = arith.constant 0 : i32
      %sign3A_95 = arith.cmpi sgt, %jit3A_85, %sign3A_94 : i32
      %sign3A_96 = arith.extui %sign3A_95 : i1 to i32
      %sign3A_97 = arith.constant 0 : i32
      %sign3A_98 = arith.cmpi slt, %jit3A_85, %sign3A_97 : i32
      %sign3A_99 = arith.extui %sign3A_98 : i1 to i32
      %sign3A_100 = arith.subi %sign3A_96, %sign3A_99 : i32
      %ne3A_101 = arith.cmpi ne, %sign3A_93, %sign3A_100 : i32
      %rem3A_102 = arith.remsi %add3A_82, %jit3A_85 : i32
      %ne3A_103 = arith.constant 0 : i32
      %ne3A_104 = arith.cmpi ne, %rem3A_102, %ne3A_103 : i32
      %and3A_105 = arith.andi %ne3A_101, %ne3A_104 : i1
      %sub3A_106 = arith.constant 1 : i32
      %sub3A_107 = arith.subi %div3A_86, %sub3A_106 : i32
      %select_n3A_108 = arith.select %and3A_105, %sub3A_107, %div3A_86 : i32
      %jit3A_109 = arith.constant 8 : i32
      %eq3A_110 = arith.constant 0 : i32
      %eq3A_111 = arith.cmpi eq, %jit3A_109, %eq3A_110 : i32
      %jit3A_112 = arith.constant 1 : i32
      %select_n3A_113 = arith.select %eq3A_111, %jit3A_112, %jit3A_109 : i32
      %rem3A_114 = arith.remsi %add3A_82, %select_n3A_113 : i32
      %ne3A_115 = arith.constant 0 : i32
      %ne3A_116 = arith.cmpi ne, %rem3A_114, %ne3A_115 : i32
      %lt3A_117 = arith.constant 0 : i32
      %lt3A_118 = arith.cmpi slt, %rem3A_114, %lt3A_117 : i32
      %lt3A_119 = arith.constant 0 : i32
      %lt3A_120 = arith.cmpi slt, %select_n3A_113, %lt3A_119 : i32
      %ne3A_121 = arith.xori %lt3A_118, %lt3A_120 : i1
      %and3A_122 = arith.andi %ne3A_121, %ne3A_116 : i1
      %add3A_123 = arith.addi %rem3A_114, %select_n3A_113 : i32
      %select_n3A_124 = arith.select %and3A_122, %add3A_123, %rem3A_114 : i32
      %mul3A_125 = arith.constant 16 : i32
      %mul3A_126 = arith.muli %select_n3A_124, %mul3A_125 : i32
      %multiple_of3A_127 = tpu.assume_multiple %mul3A_126, 16 : i32
      %swap3A_128 = arith.index_cast %select_n3A_108 : i32 to index
      %swap3A_129 = arith.index_cast %multiple_of3A_127 : i32 to index
      %swap3A_130 = tpu.vector_load %arg9[%swap3A_128, %swap3A_129] {strides = array<i32>} : memref<80x128xf32, #tpu.memory_space<vmem>>, vector<16xf32>,
      tpu.vector_store %arg9[%swap3A_128, %swap3A_129], %broadcast_in_dim3A_84 {strides = array<i32>} : memref<80x128xf32, #tpu.memory_space<vmem>>, vector<16xf32>,
      %mul3A_131 = arith.constant 4 : i32
      %mul3A_132 = arith.muli %mul3A_131, %scan3A_38 : i32
      %add3A_133 = arith.constant 2 : i32
      %add3A_134 = arith.addi %mul3A_132, %add3A_133 : i32
      %broadcast_in_dim3A_135 = arith.constant 0.000000e+00 : f32
      %broadcast_in_dim3A_136 = vector.broadcast %broadcast_in_dim3A_135 : f32 to vector<16xf32>
      %jit3A_137 = arith.constant 8 : i32
      %div3A_138 = arith.divsi %add3A_134, %jit3A_137 : i32
      %sign3A_139 = arith.constant 0 : i32
      %sign3A_140 = arith.cmpi sgt, %add3A_134, %sign3A_139 : i32
      %sign3A_141 = arith.extui %sign3A_140 : i1 to i32
      %sign3A_142 = arith.constant 0 : i32
      %sign3A_143 = arith.cmpi slt, %add3A_134, %sign3A_142 : i32
      %sign3A_144 = arith.extui %sign3A_143 : i1 to i32
      %sign3A_145 = arith.subi %sign3A_141, %sign3A_144 : i32
      %sign3A_146 = arith.constant 0 : i32
      %sign3A_147 = arith.cmpi sgt, %jit3A_137, %sign3A_146 : i32
      %sign3A_148 = arith.extui %sign3A_147 : i1 to i32
      %sign3A_149 = arith.constant 0 : i32
      %sign3A_150 = arith.cmpi slt, %jit3A_137, %sign3A_149 : i32
      %sign3A_151 = arith.extui %sign3A_150 : i1 to i32
      %sign3A_152 = arith.subi %sign3A_148, %sign3A_151 : i32
      %ne3A_153 = arith.cmpi ne, %sign3A_145, %sign3A_152 : i32
      %rem3A_154 = arith.remsi %add3A_134, %jit3A_137 : i32
      %ne3A_155 = arith.constant 0 : i32
      %ne3A_156 = arith.cmpi ne, %rem3A_154, %ne3A_155 : i32
      %and3A_157 = arith.andi %ne3A_153, %ne3A_156 : i1
      %sub3A_158 = arith.constant 1 : i32
      %sub3A_159 = arith.subi %div3A_138, %sub3A_158 : i32
      %select_n3A_160 = arith.select %and3A_157, %sub3A_159, %div3A_138 : i32
      %jit3A_161 = arith.constant 8 : i32
      %eq3A_162 = arith.constant 0 : i32
      %eq3A_163 = arith.cmpi eq, %jit3A_161, %eq3A_162 : i32
      %jit3A_164 = arith.constant 1 : i32
      %select_n3A_165 = arith.select %eq3A_163, %jit3A_164, %jit3A_161 : i32
      %rem3A_166 = arith.remsi %add3A_134, %select_n3A_165 : i32
      %ne3A_167 = arith.constant 0 : i32
      %ne3A_168 = arith.cmpi ne, %rem3A_166, %ne3A_167 : i32
      %lt3A_169 = arith.constant 0 : i32
      %lt3A_170 = arith.cmpi slt, %rem3A_166, %lt3A_169 : i32
      %lt3A_171 = arith.constant 0 : i32
      %lt3A_172 = arith.cmpi slt, %select_n3A_165, %lt3A_171 : i32
      %ne3A_173 = arith.xori %lt3A_170, %lt3A_172 : i1
      %and3A_174 = arith.andi %ne3A_173, %ne3A_168 : i1
      %add3A_175 = arith.addi %rem3A_166, %select_n3A_165 : i32
      %select_n3A_176 = arith.select %and3A_174, %add3A_175, %rem3A_166 : i32
      %mul3A_177 = arith.constant 16 : i32
      %mul3A_178 = arith.muli %select_n3A_176, %mul3A_177 : i32
      %multiple_of3A_179 = tpu.assume_multiple %mul3A_178, 16 : i32
      %swap3A_180 = arith.index_cast %select_n3A_160 : i32 to index
      %swap3A_181 = arith.index_cast %multiple_of3A_179 : i32 to index
      %swap3A_182 = tpu.vector_load %arg9[%swap3A_180, %swap3A_181] {strides = array<i32>} : memref<80x128xf32, #tpu.memory_space<vmem>>, vector<16xf32>,
      tpu.vector_store %arg9[%swap3A_180, %swap3A_181], %broadcast_in_dim3A_136 {strides = array<i32>} : memref<80x128xf32, #tpu.memory_space<vmem>>, vector<16xf32>,
      %mul3A_183 = arith.constant 4 : i32
      %mul3A_184 = arith.muli %mul3A_183, %scan3A_38 : i32
      %add3A_185 = arith.constant 3 : i32
      %add3A_186 = arith.addi %mul3A_184, %add3A_185 : i32
      %broadcast_in_dim3A_187 = arith.constant 0.000000e+00 : f32
      %broadcast_in_dim3A_188 = vector.broadcast %broadcast_in_dim3A_187 : f32 to vector<16xf32>
      %jit3A_189 = arith.constant 8 : i32
      %div3A_190 = arith.divsi %add3A_186, %jit3A_189 : i32
      %sign3A_191 = arith.constant 0 : i32
      %sign3A_192 = arith.cmpi sgt, %add3A_186, %sign3A_191 : i32
      %sign3A_193 = arith.extui %sign3A_192 : i1 to i32
      %sign3A_194 = arith.constant 0 : i32
      %sign3A_195 = arith.cmpi slt, %add3A_186, %sign3A_194 : i32
      %sign3A_196 = arith.extui %sign3A_195 : i1 to i32
      %sign3A_197 = arith.subi %sign3A_193, %sign3A_196 : i32
      %sign3A_198 = arith.constant 0 : i32
      %sign3A_199 = arith.cmpi sgt, %jit3A_189, %sign3A_198 : i32
      %sign3A_200 = arith.extui %sign3A_199 : i1 to i32
      %sign3A_201 = arith.constant 0 : i32
      %sign3A_202 = arith.cmpi slt, %jit3A_189, %sign3A_201 : i32
      %sign3A_203 = arith.extui %sign3A_202 : i1 to i32
      %sign3A_204 = arith.subi %sign3A_200, %sign3A_203 : i32
      %ne3A_205 = arith.cmpi ne, %sign3A_197, %sign3A_204 : i32
      %rem3A_206 = arith.remsi %add3A_186, %jit3A_189 : i32
      %ne3A_207 = arith.constant 0 : i32
      %ne3A_208 = arith.cmpi ne, %rem3A_206, %ne3A_207 : i32
      %and3A_209 = arith.andi %ne3A_205, %ne3A_208 : i1
      %sub3A_210 = arith.constant 1 : i32
      %sub3A_211 = arith.subi %div3A_190, %sub3A_210 : i32
      %select_n3A_212 = arith.select %and3A_209, %sub3A_211, %div3A_190 : i32
      %jit3A_213 = arith.constant 8 : i32
      %eq3A_214 = arith.constant 0 : i32
      %eq3A_215 = arith.cmpi eq, %jit3A_213, %eq3A_214 : i32
      %jit3A_216 = arith.constant 1 : i32
      %select_n3A_217 = arith.select %eq3A_215, %jit3A_216, %jit3A_213 : i32
      %rem3A_218 = arith.remsi %add3A_186, %select_n3A_217 : i32
      %ne3A_219 = arith.constant 0 : i32
      %ne3A_220 = arith.cmpi ne, %rem3A_218, %ne3A_219 : i32
      %lt3A_221 = arith.constant 0 : i32
      %lt3A_222 = arith.cmpi slt, %rem3A_218, %lt3A_221 : i32
      %lt3A_223 = arith.constant 0 : i32
      %lt3A_224 = arith.cmpi slt, %select_n3A_217, %lt3A_223 : i32
      %ne3A_225 = arith.xori %lt3A_222, %lt3A_224 : i1
      %and3A_226 = arith.andi %ne3A_225, %ne3A_220 : i1
      %add3A_227 = arith.addi %rem3A_218, %select_n3A_217 : i32
      %select_n3A_228 = arith.select %and3A_226, %add3A_227, %rem3A_218 : i32
      %mul3A_229 = arith.constant 16 : i32
      %mul3A_230 = arith.muli %select_n3A_228, %mul3A_229 : i32
      %multiple_of3A_231 = tpu.assume_multiple %mul3A_230, 16 : i32
      %swap3A_232 = arith.index_cast %select_n3A_212 : i32 to index
      %swap3A_233 = arith.index_cast %multiple_of3A_231 : i32 to index
      %swap3A_234 = tpu.vector_load %arg9[%swap3A_232, %swap3A_233] {strides = array<i32>} : memref<80x128xf32, #tpu.memory_space<vmem>>, vector<16xf32>,
      tpu.vector_store %arg9[%swap3A_232, %swap3A_233], %broadcast_in_dim3A_188 {strides = array<i32>} : memref<80x128xf32, #tpu.memory_space<vmem>>, vector<16xf32>,
      %scan3A_235 = arith.constant 0 : i32
      scf.yield %scan3A_235 : i32
    }
    %scan3A_6 = arith.constant 160 : i32
    %mul3A_7 = arith.constant 5 : i32
    %mul3A_8 = arith.muli %arg1, %mul3A_7 : i32
    %mul3A_9 = arith.constant 5 : i32
    %mul3A_10 = arith.muli %arg1, %mul3A_9 : i32
    "tpu.region"() ({
      %run_scoped3A = tpu.sem_alloc : memref<!tpu.dma_semaphore, #tpu.memory_space<semaphore_mem>>
      %dma_start3A = arith.constant 0 : i32
      %dma_start3A_38 = tpu.memref_slice %arg9[%mul3A_8, %dma_start3A] : memref<80x128xf32, #tpu.memory_space<vmem>> -> memref<5x128xf32, #tpu.memory_space<vmem>>
      %dma_start3A_39 = arith.constant 0 : i32
      %dma_start3A_40 = tpu.memref_slice %arg10[%mul3A_10, %dma_start3A_39] : memref<80x128xf32, #tpu.memory_space<vmem_shared>> -> memref<5x128xf32, #tpu.memory_space<vmem_shared>>
      %dma_start3A_41 = arith.constant 0 : i32
      %dma_start3A_42 = tpu.memref_slice %arg10[%mul3A_10, %dma_start3A_41] : memref<80x128xf32, #tpu.memory_space<vmem_shared>> -> memref<5x128xf32, #tpu.memory_space<vmem_shared>>
      %dma_start3A_43 = arith.constant 0 : i32
      %dma_start3A_44 = tpu.memref_slice %arg9[%mul3A_8, %dma_start3A_43] : memref<80x128xf32, #tpu.memory_space<vmem>> -> memref<5x128xf32, #tpu.memory_space<vmem>>
      tpu.enqueue_dma source(%dma_start3A_44 : memref<5x128xf32, #tpu.memory_space<vmem>>) target(%dma_start3A_42 : memref<5x128xf32, #tpu.memory_space<vmem_shared>>) target_semaphore(%run_scoped3A : memref<!tpu.dma_semaphore, #tpu.memory_space<semaphore_mem>>)
      %dma_wait3A = arith.constant 0 : i32
      %dma_wait3A_45 = tpu.memref_slice %arg9[%mul3A_8, %dma_wait3A] : memref<80x128xf32, #tpu.memory_space<vmem>> -> memref<5x128xf32, #tpu.memory_space<vmem>>
      %dma_wait3A_46 = arith.constant 0 : i32
      %dma_wait3A_47 = tpu.memref_slice %arg10[%mul3A_10, %dma_wait3A_46] : memref<80x128xf32, #tpu.memory_space<vmem_shared>> -> memref<5x128xf32, #tpu.memory_space<vmem_shared>>
      %dma_wait3A_48 = arith.constant 0 : i32
      %dma_wait3A_49 = tpu.memref_slice %arg10[%mul3A_10, %dma_wait3A_48] : memref<80x128xf32, #tpu.memory_space<vmem_shared>> -> memref<5x128xf32, #tpu.memory_space<vmem_shared>>
      %dma_wait3A_50 = arith.constant 0 : i32
      %dma_wait3A_51 = tpu.memref_slice %arg9[%mul3A_8, %dma_wait3A_50] : memref<80x128xf32, #tpu.memory_space<vmem>> -> memref<5x128xf32, #tpu.memory_space<vmem>>
      tpu.wait_dma2 semaphore(%run_scoped3A : memref<!tpu.dma_semaphore, #tpu.memory_space<semaphore_mem>>) src(%dma_wait3A_51 : memref<5x128xf32, #tpu.memory_space<vmem>>) dst(%dma_wait3A_49 : memref<5x128xf32, #tpu.memory_space<vmem_shared>>)
      tpu.yield
    }) : () -> ()
    %barrier3A = arith.constant 0 : index
    tpu.barrier barrier_id(%barrier3A)
    %scan3A_11 = arith.constant 0 : i32
    %scan3A_12 = arith.constant 0 : i32
    %scan3A_13 = arith.constant 160 : i32
    %scan3A_14 = arith.addi %scan3A_12, %scan3A_13 : i32
    %scan3A_15 = arith.constant 1 : i32
    %scan3A_16 = scf.for %scan3A_38 = %scan3A_12 to %scan3A_14 step %scan3A_15 iter_args(%scan3A_39 = %scan3A_11) -> (i32)  : i32 {
      %mul3A_40 = arith.constant 4 : i32
      %mul3A_41 = arith.muli %mul3A_40, %scan3A_38 : i32
      %add3A_42 = arith.constant 0 : i32
      %add3A_43 = arith.addi %mul3A_41, %add3A_42 : i32
      %mul3A_44 = arith.constant 16 : i32
      %mul3A_45 = arith.muli %add3A_43, %mul3A_44 : i32
      %multiple_of3A = tpu.assume_multiple %mul3A_45, 16 : i32
      %get3A = arith.index_cast %multiple_of3A : i32 to index
      %get3A_46 = tpu.vector_load %arg7[%get3A] {strides = array<i32>} : memref<10240xi32, #tpu.memory_space<vmem>>, vector<16xi32>,
      %mul3A_47 = arith.constant 4 : i32
      %mul3A_48 = arith.muli %mul3A_47, %scan3A_38 : i32
      %add3A_49 = arith.constant 0 : i32
      %add3A_50 = arith.addi %mul3A_48, %add3A_49 : i32
      %mul3A_51 = arith.constant 16 : i32
      %mul3A_52 = arith.muli %add3A_50, %mul3A_51 : i32
      %multiple_of3A_53 = tpu.assume_multiple %mul3A_52, 16 : i32
      %get3A_54 = arith.index_cast %multiple_of3A_53 : i32 to index
      %get3A_55 = tpu.vector_load %arg8[%get3A_54] {strides = array<i32>} : memref<10240xi32, #tpu.memory_space<vmem>>, vector<16xi32>,
      %shift_right_logical3A = arith.constant 7 : i32
      %shift_right_logical3A_56 = vector.broadcast %shift_right_logical3A : i32 to vector<16xi32>
      %shift_right_logical3A_57 = arith.shrui %get3A_46, %shift_right_logical3A_56 : vector<16xi32>
      %and3A = arith.constant 127 : i32
      %and3A_58 = vector.broadcast %and3A : i32 to vector<16xi32>
      %and3A_59 = arith.andi %get3A_46, %and3A_58 : vector<16xi32>
      %shift_right_logical3A_60 = arith.constant 7 : i32
      %shift_right_logical3A_61 = vector.broadcast %shift_right_logical3A_60 : i32 to vector<16xi32>
      %shift_right_logical3A_62 = arith.shrui %get3A_55, %shift_right_logical3A_61 : vector<16xi32>
      %and3A_63 = arith.constant 127 : i32
      %and3A_64 = vector.broadcast %and3A_63 : i32 to vector<16xi32>
      %and3A_65 = arith.andi %get3A_55, %and3A_64 : vector<16xi32>
      %gather3A = tpu.vector_load_idx %arg6[%shift_right_logical3A_57, %and3A_59] : memref<80x128xf32, #tpu.memory_space<vmem>>[vector<16xi32>, vector<16xi32>], vector<16xf32>,
      tpu.vector_store_idx %arg9[%shift_right_logical3A_62, %and3A_65], %gather3A {add = true} : memref<80x128xf32, #tpu.memory_space<vmem>>[vector<16xi32>, vector<16xi32>], vector<16xf32>,
      %mul3A_66 = arith.constant 4 : i32
      %mul3A_67 = arith.muli %mul3A_66, %scan3A_38 : i32
      %add3A_68 = arith.constant 1 : i32
      %add3A_69 = arith.addi %mul3A_67, %add3A_68 : i32
      %mul3A_70 = arith.constant 16 : i32
      %mul3A_71 = arith.muli %add3A_69, %mul3A_70 : i32
      %multiple_of3A_72 = tpu.assume_multiple %mul3A_71, 16 : i32
      %get3A_73 = arith.index_cast %multiple_of3A_72 : i32 to index
      %get3A_74 = tpu.vector_load %arg7[%get3A_73] {strides = array<i32>} : memref<10240xi32, #tpu.memory_space<vmem>>, vector<16xi32>,
      %mul3A_75 = arith.constant 4 : i32
      %mul3A_76 = arith.muli %mul3A_75, %scan3A_38 : i32
      %add3A_77 = arith.constant 1 : i32
      %add3A_78 = arith.addi %mul3A_76, %add3A_77 : i32
      %mul3A_79 = arith.constant 16 : i32
      %mul3A_80 = arith.muli %add3A_78, %mul3A_79 : i32
      %multiple_of3A_81 = tpu.assume_multiple %mul3A_80, 16 : i32
      %get3A_82 = arith.index_cast %multiple_of3A_81 : i32 to index
      %get3A_83 = tpu.vector_load %arg8[%get3A_82] {strides = array<i32>} : memref<10240xi32, #tpu.memory_space<vmem>>, vector<16xi32>,
      %shift_right_logical3A_84 = arith.constant 7 : i32
      %shift_right_logical3A_85 = vector.broadcast %shift_right_logical3A_84 : i32 to vector<16xi32>
      %shift_right_logical3A_86 = arith.shrui %get3A_74, %shift_right_logical3A_85 : vector<16xi32>
      %and3A_87 = arith.constant 127 : i32
      %and3A_88 = vector.broadcast %and3A_87 : i32 to vector<16xi32>
      %and3A_89 = arith.andi %get3A_74, %and3A_88 : vector<16xi32>
      %shift_right_logical3A_90 = arith.constant 7 : i32
      %shift_right_logical3A_91 = vector.broadcast %shift_right_logical3A_90 : i32 to vector<16xi32>
      %shift_right_logical3A_92 = arith.shrui %get3A_83, %shift_right_logical3A_91 : vector<16xi32>
      %and3A_93 = arith.constant 127 : i32
      %and3A_94 = vector.broadcast %and3A_93 : i32 to vector<16xi32>
      %and3A_95 = arith.andi %get3A_83, %and3A_94 : vector<16xi32>
      %gather3A_96 = tpu.vector_load_idx %arg6[%shift_right_logical3A_86, %and3A_89] : memref<80x128xf32, #tpu.memory_space<vmem>>[vector<16xi32>, vector<16xi32>], vector<16xf32>,
      tpu.vector_store_idx %arg9[%shift_right_logical3A_92, %and3A_95], %gather3A_96 {add = true} : memref<80x128xf32, #tpu.memory_space<vmem>>[vector<16xi32>, vector<16xi32>], vector<16xf32>,
      %mul3A_97 = arith.constant 4 : i32
      %mul3A_98 = arith.muli %mul3A_97, %scan3A_38 : i32
      %add3A_99 = arith.constant 2 : i32
      %add3A_100 = arith.addi %mul3A_98, %add3A_99 : i32
      %mul3A_101 = arith.constant 16 : i32
      %mul3A_102 = arith.muli %add3A_100, %mul3A_101 : i32
      %multiple_of3A_103 = tpu.assume_multiple %mul3A_102, 16 : i32
      %get3A_104 = arith.index_cast %multiple_of3A_103 : i32 to index
      %get3A_105 = tpu.vector_load %arg7[%get3A_104] {strides = array<i32>} : memref<10240xi32, #tpu.memory_space<vmem>>, vector<16xi32>,
      %mul3A_106 = arith.constant 4 : i32
      %mul3A_107 = arith.muli %mul3A_106, %scan3A_38 : i32
      %add3A_108 = arith.constant 2 : i32
      %add3A_109 = arith.addi %mul3A_107, %add3A_108 : i32
      %mul3A_110 = arith.constant 16 : i32
      %mul3A_111 = arith.muli %add3A_109, %mul3A_110 : i32
      %multiple_of3A_112 = tpu.assume_multiple %mul3A_111, 16 : i32
      %get3A_113 = arith.index_cast %multiple_of3A_112 : i32 to index
      %get3A_114 = tpu.vector_load %arg8[%get3A_113] {strides = array<i32>} : memref<10240xi32, #tpu.memory_space<vmem>>, vector<16xi32>,
      %shift_right_logical3A_115 = arith.constant 7 : i32
      %shift_right_logical3A_116 = vector.broadcast %shift_right_logical3A_115 : i32 to vector<16xi32>
      %shift_right_logical3A_117 = arith.shrui %get3A_105, %shift_right_logical3A_116 : vector<16xi32>
      %and3A_118 = arith.constant 127 : i32
      %and3A_119 = vector.broadcast %and3A_118 : i32 to vector<16xi32>
      %and3A_120 = arith.andi %get3A_105, %and3A_119 : vector<16xi32>
      %shift_right_logical3A_121 = arith.constant 7 : i32
      %shift_right_logical3A_122 = vector.broadcast %shift_right_logical3A_121 : i32 to vector<16xi32>
      %shift_right_logical3A_123 = arith.shrui %get3A_114, %shift_right_logical3A_122 : vector<16xi32>
      %and3A_124 = arith.constant 127 : i32
      %and3A_125 = vector.broadcast %and3A_124 : i32 to vector<16xi32>
      %and3A_126 = arith.andi %get3A_114, %and3A_125 : vector<16xi32>
      %gather3A_127 = tpu.vector_load_idx %arg6[%shift_right_logical3A_117, %and3A_120] : memref<80x128xf32, #tpu.memory_space<vmem>>[vector<16xi32>, vector<16xi32>], vector<16xf32>,
      tpu.vector_store_idx %arg9[%shift_right_logical3A_123, %and3A_126], %gather3A_127 {add = true} : memref<80x128xf32, #tpu.memory_space<vmem>>[vector<16xi32>, vector<16xi32>], vector<16xf32>,
      %mul3A_128 = arith.constant 4 : i32
      %mul3A_129 = arith.muli %mul3A_128, %scan3A_38 : i32
      %add3A_130 = arith.constant 3 : i32
      %add3A_131 = arith.addi %mul3A_129, %add3A_130 : i32
      %mul3A_132 = arith.constant 16 : i32
      %mul3A_133 = arith.muli %add3A_131, %mul3A_132 : i32
      %multiple_of3A_134 = tpu.assume_multiple %mul3A_133, 16 : i32
      %get3A_135 = arith.index_cast %multiple_of3A_134 : i32 to index
      %get3A_136 = tpu.vector_load %arg7[%get3A_135] {strides = array<i32>} : memref<10240xi32, #tpu.memory_space<vmem>>, vector<16xi32>,
      %mul3A_137 = arith.constant 4 : i32
      %mul3A_138 = arith.muli %mul3A_137, %scan3A_38 : i32
      %add3A_139 = arith.constant 3 : i32
      %add3A_140 = arith.addi %mul3A_138, %add3A_139 : i32
      %mul3A_141 = arith.constant 16 : i32
      %mul3A_142 = arith.muli %add3A_140, %mul3A_141 : i32
      %multiple_of3A_143 = tpu.assume_multiple %mul3A_142, 16 : i32
      %get3A_144 = arith.index_cast %multiple_of3A_143 : i32 to index
      %get3A_145 = tpu.vector_load %arg8[%get3A_144] {strides = array<i32>} : memref<10240xi32, #tpu.memory_space<vmem>>, vector<16xi32>,
      %shift_right_logical3A_146 = arith.constant 7 : i32
      %shift_right_logical3A_147 = vector.broadcast %shift_right_logical3A_146 : i32 to vector<16xi32>
      %shift_right_logical3A_148 = arith.shrui %get3A_136, %shift_right_logical3A_147 : vector<16xi32>
      %and3A_149 = arith.constant 127 : i32
      %and3A_150 = vector.broadcast %and3A_149 : i32 to vector<16xi32>
      %and3A_151 = arith.andi %get3A_136, %and3A_150 : vector<16xi32>
      %shift_right_logical3A_152 = arith.constant 7 : i32
      %shift_right_logical3A_153 = vector.broadcast %shift_right_logical3A_152 : i32 to vector<16xi32>
      %shift_right_logical3A_154 = arith.shrui %get3A_145, %shift_right_logical3A_153 : vector<16xi32>
      %and3A_155 = arith.constant 127 : i32
      %and3A_156 = vector.broadcast %and3A_155 : i32 to vector<16xi32>
      %and3A_157 = arith.andi %get3A_145, %and3A_156 : vector<16xi32>
      %gather3A_158 = tpu.vector_load_idx %arg6[%shift_right_logical3A_148, %and3A_151] : memref<80x128xf32, #tpu.memory_space<vmem>>[vector<16xi32>, vector<16xi32>], vector<16xf32>,
      tpu.vector_store_idx %arg9[%shift_right_logical3A_154, %and3A_157], %gather3A_158 {add = true} : memref<80x128xf32, #tpu.memory_space<vmem>>[vector<16xi32>, vector<16xi32>], vector<16xf32>,
      %scan3A_159 = arith.constant 0 : i32
      scf.yield %scan3A_159 : i32
    }
    %scan3A_17 = arith.constant 160 : i32
    %iota3A = tpu.iota {dimensions = array<i32: 0>} : vector<16xi32>
    %add3A_18 = arith.constant 0 : i32
    %add3A_19 = vector.broadcast %add3A_18 : i32 to vector<16xi32>
    %add3A_20 = arith.addi %iota3A, %add3A_19 : vector<16xi32>
    "tpu.region"() ({
      %run_scoped3A = tpu.sem_alloc : memref<!tpu.dma_semaphore, #tpu.memory_space<semaphore_mem>>
      %dma_start3A = arith.constant 0 : i32
      %dma_start3A_38 = arith.constant 0 : i32
      %dma_start3A_39 = tpu.memref_slice %arg9[%dma_start3A, %dma_start3A_38] : memref<80x128xf32, #tpu.memory_space<vmem>> -> memref<16x128xf32, #tpu.memory_space<vmem>>
      %dma_start3A_40 = arith.constant 0 : i32
      %dma_start3A_41 = arith.constant 0 : i32
      %dma_start3A_42 = tpu.memref_slice %arg10[%dma_start3A_40, %dma_start3A_41] : memref<80x128xf32, #tpu.memory_space<vmem_shared>> -> memref<80x128xf32, #tpu.memory_space<vmem_shared>>
      tpu.enqueue_indirect_dma source(%dma_start3A_39 : memref<16x128xf32, #tpu.memory_space<vmem>>) target(%dma_start3A_42 : memref<80x128xf32, #tpu.memory_space<vmem_shared>>) offsets(%add3A_20 : vector<16xi32>) semaphore(%run_scoped3A : memref<!tpu.dma_semaphore, #tpu.memory_space<semaphore_mem>>) {add = true}
      %dma_wait3A = arith.constant 0 : i32
      %dma_wait3A_43 = arith.constant 0 : i32
      %dma_wait3A_44 = tpu.memref_slice %arg9[%dma_wait3A, %dma_wait3A_43] : memref<80x128xf32, #tpu.memory_space<vmem>> -> memref<16x128xf32, #tpu.memory_space<vmem>>
      %dma_wait3A_45 = arith.constant 0 : i32
      %dma_wait3A_46 = arith.constant 0 : i32
      %dma_wait3A_47 = tpu.memref_slice %arg10[%dma_wait3A_45, %dma_wait3A_46] : memref<80x128xf32, #tpu.memory_space<vmem_shared>> -> memref<80x128xf32, #tpu.memory_space<vmem_shared>>
      tpu.wait_indirect_dma semaphore(%run_scoped3A : memref<!tpu.dma_semaphore, #tpu.memory_space<semaphore_mem>>) src(%dma_wait3A_44 : memref<16x128xf32, #tpu.memory_space<vmem>>) dst(%dma_wait3A_47 : memref<80x128xf32, #tpu.memory_space<vmem_shared>>)
      tpu.yield
    }) : () -> ()
    %add3A_21 = arith.constant 16 : i32
    %add3A_22 = vector.broadcast %add3A_21 : i32 to vector<16xi32>
    %add3A_23 = arith.addi %iota3A, %add3A_22 : vector<16xi32>
    "tpu.region"() ({
      %run_scoped3A = tpu.sem_alloc : memref<!tpu.dma_semaphore, #tpu.memory_space<semaphore_mem>>
      %dma_start3A = arith.constant 16 : i32
      %dma_start3A_38 = arith.constant 0 : i32
      %dma_start3A_39 = tpu.memref_slice %arg9[%dma_start3A, %dma_start3A_38] : memref<80x128xf32, #tpu.memory_space<vmem>> -> memref<16x128xf32, #tpu.memory_space<vmem>>
      %dma_start3A_40 = arith.constant 0 : i32
      %dma_start3A_41 = arith.constant 0 : i32
      %dma_start3A_42 = tpu.memref_slice %arg10[%dma_start3A_40, %dma_start3A_41] : memref<80x128xf32, #tpu.memory_space<vmem_shared>> -> memref<80x128xf32, #tpu.memory_space<vmem_shared>>
      tpu.enqueue_indirect_dma source(%dma_start3A_39 : memref<16x128xf32, #tpu.memory_space<vmem>>) target(%dma_start3A_42 : memref<80x128xf32, #tpu.memory_space<vmem_shared>>) offsets(%add3A_23 : vector<16xi32>) semaphore(%run_scoped3A : memref<!tpu.dma_semaphore, #tpu.memory_space<semaphore_mem>>) {add = true}
      %dma_wait3A = arith.constant 16 : i32
      %dma_wait3A_43 = arith.constant 0 : i32
      %dma_wait3A_44 = tpu.memref_slice %arg9[%dma_wait3A, %dma_wait3A_43] : memref<80x128xf32, #tpu.memory_space<vmem>> -> memref<16x128xf32, #tpu.memory_space<vmem>>
      %dma_wait3A_45 = arith.constant 0 : i32
      %dma_wait3A_46 = arith.constant 0 : i32
      %dma_wait3A_47 = tpu.memref_slice %arg10[%dma_wait3A_45, %dma_wait3A_46] : memref<80x128xf32, #tpu.memory_space<vmem_shared>> -> memref<80x128xf32, #tpu.memory_space<vmem_shared>>
      tpu.wait_indirect_dma semaphore(%run_scoped3A : memref<!tpu.dma_semaphore, #tpu.memory_space<semaphore_mem>>) src(%dma_wait3A_44 : memref<16x128xf32, #tpu.memory_space<vmem>>) dst(%dma_wait3A_47 : memref<80x128xf32, #tpu.memory_space<vmem_shared>>)
      tpu.yield
    }) : () -> ()
    %add3A_24 = arith.constant 32 : i32
    %add3A_25 = vector.broadcast %add3A_24 : i32 to vector<16xi32>
    %add3A_26 = arith.addi %iota3A, %add3A_25 : vector<16xi32>
    "tpu.region"() ({
      %run_scoped3A = tpu.sem_alloc : memref<!tpu.dma_semaphore, #tpu.memory_space<semaphore_mem>>
      %dma_start3A = arith.constant 32 : i32
      %dma_start3A_38 = arith.constant 0 : i32
      %dma_start3A_39 = tpu.memref_slice %arg9[%dma_start3A, %dma_start3A_38] : memref<80x128xf32, #tpu.memory_space<vmem>> -> memref<16x128xf32, #tpu.memory_space<vmem>>
      %dma_start3A_40 = arith.constant 0 : i32
      %dma_start3A_41 = arith.constant 0 : i32
      %dma_start3A_42 = tpu.memref_slice %arg10[%dma_start3A_40, %dma_start3A_41] : memref<80x128xf32, #tpu.memory_space<vmem_shared>> -> memref<80x128xf32, #tpu.memory_space<vmem_shared>>
      tpu.enqueue_indirect_dma source(%dma_start3A_39 : memref<16x128xf32, #tpu.memory_space<vmem>>) target(%dma_start3A_42 : memref<80x128xf32, #tpu.memory_space<vmem_shared>>) offsets(%add3A_26 : vector<16xi32>) semaphore(%run_scoped3A : memref<!tpu.dma_semaphore, #tpu.memory_space<semaphore_mem>>) {add = true}
      %dma_wait3A = arith.constant 32 : i32
      %dma_wait3A_43 = arith.constant 0 : i32
      %dma_wait3A_44 = tpu.memref_slice %arg9[%dma_wait3A, %dma_wait3A_43] : memref<80x128xf32, #tpu.memory_space<vmem>> -> memref<16x128xf32, #tpu.memory_space<vmem>>
      %dma_wait3A_45 = arith.constant 0 : i32
      %dma_wait3A_46 = arith.constant 0 : i32
      %dma_wait3A_47 = tpu.memref_slice %arg10[%dma_wait3A_45, %dma_wait3A_46] : memref<80x128xf32, #tpu.memory_space<vmem_shared>> -> memref<80x128xf32, #tpu.memory_space<vmem_shared>>
      tpu.wait_indirect_dma semaphore(%run_scoped3A : memref<!tpu.dma_semaphore, #tpu.memory_space<semaphore_mem>>) src(%dma_wait3A_44 : memref<16x128xf32, #tpu.memory_space<vmem>>) dst(%dma_wait3A_47 : memref<80x128xf32, #tpu.memory_space<vmem_shared>>)
      tpu.yield
    }) : () -> ()
    %add3A_27 = arith.constant 48 : i32
    %add3A_28 = vector.broadcast %add3A_27 : i32 to vector<16xi32>
    %add3A_29 = arith.addi %iota3A, %add3A_28 : vector<16xi32>
    "tpu.region"() ({
      %run_scoped3A = tpu.sem_alloc : memref<!tpu.dma_semaphore, #tpu.memory_space<semaphore_mem>>
      %dma_start3A = arith.constant 48 : i32
      %dma_start3A_38 = arith.constant 0 : i32
      %dma_start3A_39 = tpu.memref_slice %arg9[%dma_start3A, %dma_start3A_38] : memref<80x128xf32, #tpu.memory_space<vmem>> -> memref<16x128xf32, #tpu.memory_space<vmem>>
      %dma_start3A_40 = arith.constant 0 : i32
      %dma_start3A_41 = arith.constant 0 : i32
      %dma_start3A_42 = tpu.memref_slice %arg10[%dma_start3A_40, %dma_start3A_41] : memref<80x128xf32, #tpu.memory_space<vmem_shared>> -> memref<80x128xf32, #tpu.memory_space<vmem_shared>>
      tpu.enqueue_indirect_dma source(%dma_start3A_39 : memref<16x128xf32, #tpu.memory_space<vmem>>) target(%dma_start3A_42 : memref<80x128xf32, #tpu.memory_space<vmem_shared>>) offsets(%add3A_29 : vector<16xi32>) semaphore(%run_scoped3A : memref<!tpu.dma_semaphore, #tpu.memory_space<semaphore_mem>>) {add = true}
      %dma_wait3A = arith.constant 48 : i32
      %dma_wait3A_43 = arith.constant 0 : i32
      %dma_wait3A_44 = tpu.memref_slice %arg9[%dma_wait3A, %dma_wait3A_43] : memref<80x128xf32, #tpu.memory_space<vmem>> -> memref<16x128xf32, #tpu.memory_space<vmem>>
      %dma_wait3A_45 = arith.constant 0 : i32
      %dma_wait3A_46 = arith.constant 0 : i32
      %dma_wait3A_47 = tpu.memref_slice %arg10[%dma_wait3A_45, %dma_wait3A_46] : memref<80x128xf32, #tpu.memory_space<vmem_shared>> -> memref<80x128xf32, #tpu.memory_space<vmem_shared>>
      tpu.wait_indirect_dma semaphore(%run_scoped3A : memref<!tpu.dma_semaphore, #tpu.memory_space<semaphore_mem>>) src(%dma_wait3A_44 : memref<16x128xf32, #tpu.memory_space<vmem>>) dst(%dma_wait3A_47 : memref<80x128xf32, #tpu.memory_space<vmem_shared>>)
      tpu.yield
    }) : () -> ()
    %add3A_30 = arith.constant 64 : i32
    %add3A_31 = vector.broadcast %add3A_30 : i32 to vector<16xi32>
    %add3A_32 = arith.addi %iota3A, %add3A_31 : vector<16xi32>
    "tpu.region"() ({
      %run_scoped3A = tpu.sem_alloc : memref<!tpu.dma_semaphore, #tpu.memory_space<semaphore_mem>>
      %dma_start3A = arith.constant 64 : i32
      %dma_start3A_38 = arith.constant 0 : i32
      %dma_start3A_39 = tpu.memref_slice %arg9[%dma_start3A, %dma_start3A_38] : memref<80x128xf32, #tpu.memory_space<vmem>> -> memref<16x128xf32, #tpu.memory_space<vmem>>
      %dma_start3A_40 = arith.constant 0 : i32
      %dma_start3A_41 = arith.constant 0 : i32
      %dma_start3A_42 = tpu.memref_slice %arg10[%dma_start3A_40, %dma_start3A_41] : memref<80x128xf32, #tpu.memory_space<vmem_shared>> -> memref<80x128xf32, #tpu.memory_space<vmem_shared>>
      tpu.enqueue_indirect_dma source(%dma_start3A_39 : memref<16x128xf32, #tpu.memory_space<vmem>>) target(%dma_start3A_42 : memref<80x128xf32, #tpu.memory_space<vmem_shared>>) offsets(%add3A_32 : vector<16xi32>) semaphore(%run_scoped3A : memref<!tpu.dma_semaphore, #tpu.memory_space<semaphore_mem>>) {add = true}
      %dma_wait3A = arith.constant 64 : i32
      %dma_wait3A_43 = arith.constant 0 : i32
      %dma_wait3A_44 = tpu.memref_slice %arg9[%dma_wait3A, %dma_wait3A_43] : memref<80x128xf32, #tpu.memory_space<vmem>> -> memref<16x128xf32, #tpu.memory_space<vmem>>
      %dma_wait3A_45 = arith.constant 0 : i32
      %dma_wait3A_46 = arith.constant 0 : i32
      %dma_wait3A_47 = tpu.memref_slice %arg10[%dma_wait3A_45, %dma_wait3A_46] : memref<80x128xf32, #tpu.memory_space<vmem_shared>> -> memref<80x128xf32, #tpu.memory_space<vmem_shared>>
      tpu.wait_indirect_dma semaphore(%run_scoped3A : memref<!tpu.dma_semaphore, #tpu.memory_space<semaphore_mem>>) src(%dma_wait3A_44 : memref<16x128xf32, #tpu.memory_space<vmem>>) dst(%dma_wait3A_47 : memref<80x128xf32, #tpu.memory_space<vmem_shared>>)
      tpu.yield
    }) : () -> ()
    %barrier3A_33 = arith.constant 0 : index
    tpu.barrier barrier_id(%barrier3A_33)
    %mul3A_34 = arith.constant 5 : i32
    %mul3A_35 = arith.muli %arg1, %mul3A_34 : i32
    %mul3A_36 = arith.constant 5 : i32
    %mul3A_37 = arith.muli %arg1, %mul3A_36 : i32
    "tpu.region"() ({
      %run_scoped3A = tpu.sem_alloc : memref<!tpu.dma_semaphore, #tpu.memory_space<semaphore_mem>>
      %dma_start3A = arith.constant 0 : i32
      %dma_start3A_38 = tpu.memref_slice %arg5[%arg0, %mul3A_37, %dma_start3A] : memref<2x80x128xf32, #tpu.memory_space<hbm>> -> memref<1x5x128xf32, #tpu.memory_space<hbm>>
      %dma_start3A_39 = tpu.memref_squeeze %dma_start3A_38 : memref<1x5x128xf32, #tpu.memory_space<hbm>> -> memref<5x128xf32, #tpu.memory_space<hbm>>
      %dma_start3A_40 = arith.constant 0 : i32
      %dma_start3A_41 = tpu.memref_slice %arg10[%mul3A_35, %dma_start3A_40] : memref<80x128xf32, #tpu.memory_space<vmem_shared>> -> memref<5x128xf32, #tpu.memory_space<vmem_shared>>
      tpu.enqueue_dma source(%dma_start3A_41 : memref<5x128xf32, #tpu.memory_space<vmem_shared>>) target(%dma_start3A_39 : memref<5x128xf32, #tpu.memory_space<hbm>>) target_semaphore(%run_scoped3A : memref<!tpu.dma_semaphore, #tpu.memory_space<semaphore_mem>>)
      %dma_wait3A = arith.constant 0 : i32
      %dma_wait3A_42 = tpu.memref_slice %arg5[%arg0, %mul3A_37, %dma_wait3A] : memref<2x80x128xf32, #tpu.memory_space<hbm>> -> memref<1x5x128xf32, #tpu.memory_space<hbm>>
      %dma_wait3A_43 = tpu.memref_squeeze %dma_wait3A_42 : memref<1x5x128xf32, #tpu.memory_space<hbm>> -> memref<5x128xf32, #tpu.memory_space<hbm>>
      %dma_wait3A_44 = arith.constant 0 : i32
      %dma_wait3A_45 = tpu.memref_slice %arg10[%mul3A_35, %dma_wait3A_44] : memref<80x128xf32, #tpu.memory_space<vmem_shared>> -> memref<5x128xf32, #tpu.memory_space<vmem_shared>>
      tpu.wait_dma2 semaphore(%run_scoped3A : memref<!tpu.dma_semaphore, #tpu.memory_space<semaphore_mem>>) src(%dma_wait3A_45 : memref<5x128xf32, #tpu.memory_space<vmem_shared>>) dst(%dma_wait3A_43 : memref<5x128xf32, #tpu.memory_space<hbm>>)
      tpu.yield
    }) : () -> ()
    return
  }
}

#map = affine_map<(d0, d1) -> (0, 0)>
#map1 = affine_map<(d0, d1) -> (0, 0, 0)>
module attributes {stable_mosaic.version = 14 : i64} {
  func.func @_agg_body(%arg0: i32, %arg1: i32, %arg2: memref<10000x64xbf16, #tpu.memory_space<hbm>>, %arg3: memref<2560x128xi32, #tpu.memory_space<hbm>>, %arg4: memref<2560x128xi32, #tpu.memory_space<hbm>>, %arg5: memref<2x20480x64xbf16, #tpu.memory_space<hbm>>, %arg6: memref<80x128xi32, #tpu.memory_space<vmem>>, %arg7: memref<80x128xi32, #tpu.memory_space<vmem>>, %arg8: memref<128x64xbf16, #tpu.memory_space<vmem>>, %arg9: memref<128x64xbf16, #tpu.memory_space<vmem>>, %arg10: memref<64x64xbf16, #tpu.memory_space<vmem>>, %arg11: memref<10000x64xbf16, #tpu.memory_space<vmem_shared>>, %arg12: memref<20480x64xbf16, #tpu.memory_space<vmem_shared>>, %arg13: memref<!tpu.dma_semaphore, #tpu.memory_space<semaphore_mem>>, %arg14: memref<!tpu.dma_semaphore, #tpu.memory_space<semaphore_mem>>) attributes {dimension_semantics = [#tpu.dimension_semantics<core_parallel>, #tpu.dimension_semantics<subcore_parallel>], iteration_bounds = array<i64: 2, 16>, scalar_prefetch = 0 : i64, scratch_operands = 9 : i64, tpu.core_type = #tpu.core_type<sc_vector_subcore>, window_params = [{transform_indices = #map}, {transform_indices = #map}, {transform_indices = #map}, {transform_indices = #map1}]} {
    %and3A = arith.constant 1 : i32
    %and3A_0 = arith.andi %arg1, %and3A : i32
    %mul3A = arith.constant 10240 : i32
    %mul3A_1 = arith.muli %and3A_0, %mul3A : i32
    %mul3A_2 = arith.constant 625 : i32
    %mul3A_3 = arith.muli %arg1, %mul3A_2 : i32
    %mul3A_4 = arith.constant 625 : i32
    %mul3A_5 = arith.muli %arg1, %mul3A_4 : i32
    %dma_start3A = arith.constant 0 : i32
    %dma_start3A_6 = tpu.memref_slice %arg11[%mul3A_5, %dma_start3A] : memref<10000x64xbf16, #tpu.memory_space<vmem_shared>> -> memref<625x64xbf16, #tpu.memory_space<vmem_shared>>
    %dma_start3A_7 = arith.constant 0 : i32
    %dma_start3A_8 = tpu.memref_slice %arg2[%mul3A_3, %dma_start3A_7] : memref<10000x64xbf16, #tpu.memory_space<hbm>> -> memref<625x64xbf16, #tpu.memory_space<hbm>>
    tpu.enqueue_dma source(%dma_start3A_8 : memref<625x64xbf16, #tpu.memory_space<hbm>>) target(%dma_start3A_6 : memref<625x64xbf16, #tpu.memory_space<vmem_shared>>) target_semaphore(%arg13 : memref<!tpu.dma_semaphore, #tpu.memory_space<semaphore_mem>>)
    %scan3A = arith.constant 0 : i32
    %scan3A_9 = arith.constant 0 : i32
    %scan3A_10 = arith.constant 128 : i32
    %scan3A_11 = arith.addi %scan3A_9, %scan3A_10 : i32
    %scan3A_12 = arith.constant 1 : i32
    %scan3A_13 = scf.for %scan3A_78 = %scan3A_9 to %scan3A_11 step %scan3A_12 iter_args(%scan3A_79 = %scan3A) -> (i32)  : i32 {
      %jit3A = arith.constant 2 : i32
      %div3A = arith.divsi %scan3A_78, %jit3A : i32
      %sign3A = arith.constant 0 : i32
      %sign3A_80 = arith.cmpi sgt, %scan3A_78, %sign3A : i32
      %sign3A_81 = arith.extui %sign3A_80 : i1 to i32
      %sign3A_82 = arith.constant 0 : i32
      %sign3A_83 = arith.cmpi slt, %scan3A_78, %sign3A_82 : i32
      %sign3A_84 = arith.extui %sign3A_83 : i1 to i32
      %sign3A_85 = arith.subi %sign3A_81, %sign3A_84 : i32
      %sign3A_86 = arith.constant 0 : i32
      %sign3A_87 = arith.cmpi sgt, %jit3A, %sign3A_86 : i32
      %sign3A_88 = arith.extui %sign3A_87 : i1 to i32
      %sign3A_89 = arith.constant 0 : i32
      %sign3A_90 = arith.cmpi slt, %jit3A, %sign3A_89 : i32
      %sign3A_91 = arith.extui %sign3A_90 : i1 to i32
      %sign3A_92 = arith.subi %sign3A_88, %sign3A_91 : i32
      %ne3A = arith.cmpi ne, %sign3A_85, %sign3A_92 : i32
      %rem3A = arith.remsi %scan3A_78, %jit3A : i32
      %ne3A_93 = arith.constant 0 : i32
      %ne3A_94 = arith.cmpi ne, %rem3A, %ne3A_93 : i32
      %and3A_95 = arith.andi %ne3A, %ne3A_94 : i1
      %sub3A = arith.constant 1 : i32
      %sub3A_96 = arith.subi %div3A, %sub3A : i32
      %select_n3A = arith.select %and3A_95, %sub3A_96, %div3A : i32
      %jit3A_97 = arith.constant 2 : i32
      %eq3A = arith.constant 0 : i32
      %eq3A_98 = arith.cmpi eq, %jit3A_97, %eq3A : i32
      %jit3A_99 = arith.constant 1 : i32
      %select_n3A_100 = arith.select %eq3A_98, %jit3A_99, %jit3A_97 : i32
      %rem3A_101 = arith.remsi %scan3A_78, %select_n3A_100 : i32
      %ne3A_102 = arith.constant 0 : i32
      %ne3A_103 = arith.cmpi ne, %rem3A_101, %ne3A_102 : i32
      %lt3A = arith.constant 0 : i32
      %lt3A_104 = arith.cmpi slt, %rem3A_101, %lt3A : i32
      %lt3A_105 = arith.constant 0 : i32
      %lt3A_106 = arith.cmpi slt, %select_n3A_100, %lt3A_105 : i32
      %ne3A_107 = arith.xori %lt3A_104, %lt3A_106 : i1
      %and3A_108 = arith.andi %ne3A_107, %ne3A_103 : i1
      %add3A_109 = arith.addi %rem3A_101, %select_n3A_100 : i32
      %select_n3A_110 = arith.select %and3A_108, %add3A_109, %rem3A_101 : i32
      %broadcast_in_dim3A = arith.constant 0.000000e+00 : bf16
      %broadcast_in_dim3A_111 = vector.broadcast %broadcast_in_dim3A : bf16 to vector<32xbf16>
      %mul3A_112 = arith.constant 32 : i32
      %mul3A_113 = arith.muli %select_n3A_110, %mul3A_112 : i32
      %multiple_of3A = tpu.assume_multiple %mul3A_113, 32 : i32
      %swap3A = arith.index_cast %select_n3A : i32 to index
      %swap3A_114 = arith.index_cast %multiple_of3A : i32 to index
      %swap3A_115 = tpu.vector_load %arg10[%swap3A, %swap3A_114] {strides = array<i32>} : memref<64x64xbf16, #tpu.memory_space<vmem>>, vector<32xbf16>,
      tpu.vector_store %arg10[%swap3A, %swap3A_114], %broadcast_in_dim3A_111 {strides = array<i32>} : memref<64x64xbf16, #tpu.memory_space<vmem>>, vector<32xbf16>,
      %scan3A_116 = arith.constant 0 : i32
      scf.yield %scan3A_116 : i32
    }
    %scan3A_14 = arith.constant 128 : i32
    %scan3A_15 = arith.constant 0 : i32
    %scan3A_16 = arith.constant 0 : i32
    %scan3A_17 = arith.constant 20 : i32
    %scan3A_18 = arith.addi %scan3A_16, %scan3A_17 : i32
    %scan3A_19 = arith.constant 1 : i32
    %scan3A_20 = scf.for %scan3A_78 = %scan3A_16 to %scan3A_18 step %scan3A_19 iter_args(%scan3A_79 = %scan3A_15) -> (i32)  : i32 {
      %mul3A_80 = arith.constant 2 : i32
      %mul3A_81 = arith.muli %mul3A_80, %arg1 : i32
      %mul3A_82 = arith.constant 640 : i32
      %mul3A_83 = arith.muli %mul3A_81, %mul3A_82 : i32
      %mul3A_84 = arith.constant 64 : i32
      %mul3A_85 = arith.muli %scan3A_78, %mul3A_84 : i32
      %add3A_86 = arith.addi %mul3A_83, %mul3A_85 : i32
      "tpu.region"() ({
        %run_scoped3A_88 = tpu.sem_alloc : memref<!tpu.dma_semaphore, #tpu.memory_space<semaphore_mem>>
        %dma_start3A_89 = arith.constant 0 : i32
        %dma_start3A_90 = tpu.memref_slice %arg12[%add3A_86, %dma_start3A_89] : memref<20480x64xbf16, #tpu.memory_space<vmem_shared>> -> memref<64x64xbf16, #tpu.memory_space<vmem_shared>>
        %dma_start3A_91 = arith.constant 0 : i32
        %dma_start3A_92 = tpu.memref_slice %arg12[%add3A_86, %dma_start3A_91] : memref<20480x64xbf16, #tpu.memory_space<vmem_shared>> -> memref<64x64xbf16, #tpu.memory_space<vmem_shared>>
        tpu.enqueue_dma source(%arg10 : memref<64x64xbf16, #tpu.memory_space<vmem>>) target(%dma_start3A_92 : memref<64x64xbf16, #tpu.memory_space<vmem_shared>>) target_semaphore(%run_scoped3A_88 : memref<!tpu.dma_semaphore, #tpu.memory_space<semaphore_mem>>)
        %dma_wait3A_93 = arith.constant 0 : i32
        %dma_wait3A_94 = tpu.memref_slice %arg12[%add3A_86, %dma_wait3A_93] : memref<20480x64xbf16, #tpu.memory_space<vmem_shared>> -> memref<64x64xbf16, #tpu.memory_space<vmem_shared>>
        %dma_wait3A_95 = arith.constant 0 : i32
        %dma_wait3A_96 = tpu.memref_slice %arg12[%add3A_86, %dma_wait3A_95] : memref<20480x64xbf16, #tpu.memory_space<vmem_shared>> -> memref<64x64xbf16, #tpu.memory_space<vmem_shared>>
        tpu.wait_dma2 semaphore(%run_scoped3A_88 : memref<!tpu.dma_semaphore, #tpu.memory_space<semaphore_mem>>) src(%arg10 : memref<64x64xbf16, #tpu.memory_space<vmem>>) dst(%dma_wait3A_96 : memref<64x64xbf16, #tpu.memory_space<vmem_shared>>)
        tpu.yield
      }) : () -> ()
      %scan3A_87 = arith.constant 0 : i32
      scf.yield %scan3A_87 : i32
    }
    %scan3A_21 = arith.constant 20 : i32
    %mul3A_22 = arith.constant 625 : i32
    %mul3A_23 = arith.muli %arg1, %mul3A_22 : i32
    %mul3A_24 = arith.constant 625 : i32
    %mul3A_25 = arith.muli %arg1, %mul3A_24 : i32
    %dma_wait3A = arith.constant 0 : i32
    %dma_wait3A_26 = tpu.memref_slice %arg11[%mul3A_25, %dma_wait3A] : memref<10000x64xbf16, #tpu.memory_space<vmem_shared>> -> memref<625x64xbf16, #tpu.memory_space<vmem_shared>>
    %dma_wait3A_27 = arith.constant 0 : i32
    %dma_wait3A_28 = tpu.memref_slice %arg2[%mul3A_23, %dma_wait3A_27] : memref<10000x64xbf16, #tpu.memory_space<hbm>> -> memref<625x64xbf16, #tpu.memory_space<hbm>>
    tpu.wait_dma2 semaphore(%arg13 : memref<!tpu.dma_semaphore, #tpu.memory_space<semaphore_mem>>) src(%dma_wait3A_28 : memref<625x64xbf16, #tpu.memory_space<hbm>>) dst(%dma_wait3A_26 : memref<625x64xbf16, #tpu.memory_space<vmem_shared>>)
    %barrier3A = arith.constant 0 : index
    tpu.barrier barrier_id(%barrier3A)
    %mul3A_29 = arith.constant 16 : i32
    %mul3A_30 = arith.muli %arg0, %mul3A_29 : i32
    %add3A = arith.addi %mul3A_30, %arg1 : i32
    %mul3A_31 = arith.constant 80 : i32
    %mul3A_32 = arith.muli %add3A, %mul3A_31 : i32
    "tpu.region"() ({
      %run_scoped3A_78 = tpu.sem_alloc : memref<!tpu.dma_semaphore, #tpu.memory_space<semaphore_mem>>
      %dma_start3A_79 = arith.constant 0 : i32
      %dma_start3A_80 = arith.constant 0 : i32
      %dma_start3A_81 = tpu.memref_slice %arg6[%dma_start3A_79, %dma_start3A_80] : memref<80x128xi32, #tpu.memory_space<vmem>> -> memref<80x128xi32, #tpu.memory_space<vmem>>
      %dma_start3A_82 = arith.constant 0 : i32
      %dma_start3A_83 = tpu.memref_slice %arg3[%mul3A_32, %dma_start3A_82] : memref<2560x128xi32, #tpu.memory_space<hbm>> -> memref<80x128xi32, #tpu.memory_space<hbm>>
      %dma_start3A_84 = arith.constant 0 : i32
      %dma_start3A_85 = arith.constant 0 : i32
      %dma_start3A_86 = tpu.memref_slice %arg6[%dma_start3A_84, %dma_start3A_85] : memref<80x128xi32, #tpu.memory_space<vmem>> -> memref<80x128xi32, #tpu.memory_space<vmem>>
      %dma_start3A_87 = arith.constant 0 : i32
      %dma_start3A_88 = tpu.memref_slice %arg3[%mul3A_32, %dma_start3A_87] : memref<2560x128xi32, #tpu.memory_space<hbm>> -> memref<80x128xi32, #tpu.memory_space<hbm>>
      tpu.enqueue_dma source(%dma_start3A_88 : memref<80x128xi32, #tpu.memory_space<hbm>>) target(%dma_start3A_86 : memref<80x128xi32, #tpu.memory_space<vmem>>) target_semaphore(%run_scoped3A_78 : memref<!tpu.dma_semaphore, #tpu.memory_space<semaphore_mem>>)
      %dma_wait3A_89 = arith.constant 0 : i32
      %dma_wait3A_90 = arith.constant 0 : i32
      %dma_wait3A_91 = tpu.memref_slice %arg6[%dma_wait3A_89, %dma_wait3A_90] : memref<80x128xi32, #tpu.memory_space<vmem>> -> memref<80x128xi32, #tpu.memory_space<vmem>>
      %dma_wait3A_92 = arith.constant 0 : i32
      %dma_wait3A_93 = tpu.memref_slice %arg3[%mul3A_32, %dma_wait3A_92] : memref<2560x128xi32, #tpu.memory_space<hbm>> -> memref<80x128xi32, #tpu.memory_space<hbm>>
      %dma_wait3A_94 = arith.constant 0 : i32
      %dma_wait3A_95 = arith.constant 0 : i32
      %dma_wait3A_96 = tpu.memref_slice %arg6[%dma_wait3A_94, %dma_wait3A_95] : memref<80x128xi32, #tpu.memory_space<vmem>> -> memref<80x128xi32, #tpu.memory_space<vmem>>
      %dma_wait3A_97 = arith.constant 0 : i32
      %dma_wait3A_98 = tpu.memref_slice %arg3[%mul3A_32, %dma_wait3A_97] : memref<2560x128xi32, #tpu.memory_space<hbm>> -> memref<80x128xi32, #tpu.memory_space<hbm>>
      tpu.wait_dma2 semaphore(%run_scoped3A_78 : memref<!tpu.dma_semaphore, #tpu.memory_space<semaphore_mem>>) src(%dma_wait3A_98 : memref<80x128xi32, #tpu.memory_space<hbm>>) dst(%dma_wait3A_96 : memref<80x128xi32, #tpu.memory_space<vmem>>)
      tpu.yield
    }) : () -> ()
    "tpu.region"() ({
      %run_scoped3A_78 = tpu.sem_alloc : memref<!tpu.dma_semaphore, #tpu.memory_space<semaphore_mem>>
      %dma_start3A_79 = arith.constant 0 : i32
      %dma_start3A_80 = arith.constant 0 : i32
      %dma_start3A_81 = tpu.memref_slice %arg7[%dma_start3A_79, %dma_start3A_80] : memref<80x128xi32, #tpu.memory_space<vmem>> -> memref<80x128xi32, #tpu.memory_space<vmem>>
      %dma_start3A_82 = arith.constant 0 : i32
      %dma_start3A_83 = tpu.memref_slice %arg4[%mul3A_32, %dma_start3A_82] : memref<2560x128xi32, #tpu.memory_space<hbm>> -> memref<80x128xi32, #tpu.memory_space<hbm>>
      %dma_start3A_84 = arith.constant 0 : i32
      %dma_start3A_85 = arith.constant 0 : i32
      %dma_start3A_86 = tpu.memref_slice %arg7[%dma_start3A_84, %dma_start3A_85] : memref<80x128xi32, #tpu.memory_space<vmem>> -> memref<80x128xi32, #tpu.memory_space<vmem>>
      %dma_start3A_87 = arith.constant 0 : i32
      %dma_start3A_88 = tpu.memref_slice %arg4[%mul3A_32, %dma_start3A_87] : memref<2560x128xi32, #tpu.memory_space<hbm>> -> memref<80x128xi32, #tpu.memory_space<hbm>>
      tpu.enqueue_dma source(%dma_start3A_88 : memref<80x128xi32, #tpu.memory_space<hbm>>) target(%dma_start3A_86 : memref<80x128xi32, #tpu.memory_space<vmem>>) target_semaphore(%run_scoped3A_78 : memref<!tpu.dma_semaphore, #tpu.memory_space<semaphore_mem>>)
      %dma_wait3A_89 = arith.constant 0 : i32
      %dma_wait3A_90 = arith.constant 0 : i32
      %dma_wait3A_91 = tpu.memref_slice %arg7[%dma_wait3A_89, %dma_wait3A_90] : memref<80x128xi32, #tpu.memory_space<vmem>> -> memref<80x128xi32, #tpu.memory_space<vmem>>
      %dma_wait3A_92 = arith.constant 0 : i32
      %dma_wait3A_93 = tpu.memref_slice %arg4[%mul3A_32, %dma_wait3A_92] : memref<2560x128xi32, #tpu.memory_space<hbm>> -> memref<80x128xi32, #tpu.memory_space<hbm>>
      %dma_wait3A_94 = arith.constant 0 : i32
      %dma_wait3A_95 = arith.constant 0 : i32
      %dma_wait3A_96 = tpu.memref_slice %arg7[%dma_wait3A_94, %dma_wait3A_95] : memref<80x128xi32, #tpu.memory_space<vmem>> -> memref<80x128xi32, #tpu.memory_space<vmem>>
      %dma_wait3A_97 = arith.constant 0 : i32
      %dma_wait3A_98 = tpu.memref_slice %arg4[%mul3A_32, %dma_wait3A_97] : memref<2560x128xi32, #tpu.memory_space<hbm>> -> memref<80x128xi32, #tpu.memory_space<hbm>>
      tpu.wait_dma2 semaphore(%run_scoped3A_78 : memref<!tpu.dma_semaphore, #tpu.memory_space<semaphore_mem>>) src(%dma_wait3A_98 : memref<80x128xi32, #tpu.memory_space<hbm>>) dst(%dma_wait3A_96 : memref<80x128xi32, #tpu.memory_space<vmem>>)
      tpu.yield
    }) : () -> ()
    %dma_start3A_33 = arith.constant 0 : i32
    %dma_start3A_34 = arith.constant 0 : i32
    %dma_start3A_35 = tpu.memref_slice %arg6[%dma_start3A_33, %dma_start3A_34] : memref<80x128xi32, #tpu.memory_space<vmem>> -> memref<1x128xi32, #tpu.memory_space<vmem>>
    %dma_start3A_36 = tpu.memref_squeeze %dma_start3A_35 : memref<1x128xi32, #tpu.memory_space<vmem>> -> memref<128xi32, #tpu.memory_space<vmem>>
    %dma_start3A_37 = arith.constant 0 : i32
    %dma_start3A_38 = arith.constant 0 : i32
    %dma_start3A_39 = tpu.memref_slice %arg11[%dma_start3A_37, %dma_start3A_38] : memref<10000x64xbf16, #tpu.memory_space<vmem_shared>> -> memref<10000x64xbf16, #tpu.memory_space<vmem_shared>>
    tpu.enqueue_indirect_dma source(%dma_start3A_39 : memref<10000x64xbf16, #tpu.memory_space<vmem_shared>>) target(%arg8 : memref<128x64xbf16, #tpu.memory_space<vmem>>) offsets(%dma_start3A_36 : memref<128xi32, #tpu.memory_space<vmem>>) semaphore(%arg13 : memref<!tpu.dma_semaphore, #tpu.memory_space<semaphore_mem>>)
    %dma_start3A_40 = arith.constant 1 : i32
    %dma_start3A_41 = arith.constant 0 : i32
    %dma_start3A_42 = tpu.memref_slice %arg6[%dma_start3A_40, %dma_start3A_41] : memref<80x128xi32, #tpu.memory_space<vmem>> -> memref<1x128xi32, #tpu.memory_space<vmem>>
    %dma_start3A_43 = tpu.memref_squeeze %dma_start3A_42 : memref<1x128xi32, #tpu.memory_space<vmem>> -> memref<128xi32, #tpu.memory_space<vmem>>
    %dma_start3A_44 = arith.constant 0 : i32
    %dma_start3A_45 = arith.constant 0 : i32
    %dma_start3A_46 = tpu.memref_slice %arg11[%dma_start3A_44, %dma_start3A_45] : memref<10000x64xbf16, #tpu.memory_space<vmem_shared>> -> memref<10000x64xbf16, #tpu.memory_space<vmem_shared>>
    tpu.enqueue_indirect_dma source(%dma_start3A_46 : memref<10000x64xbf16, #tpu.memory_space<vmem_shared>>) target(%arg9 : memref<128x64xbf16, #tpu.memory_space<vmem>>) offsets(%dma_start3A_43 : memref<128xi32, #tpu.memory_space<vmem>>) semaphore(%arg14 : memref<!tpu.dma_semaphore, #tpu.memory_space<semaphore_mem>>)
    %scan3A_47 = arith.constant 0 : i32
    %scan3A_48 = arith.constant 0 : i32
    %scan3A_49 = arith.constant 39 : i32
    %scan3A_50 = arith.addi %scan3A_48, %scan3A_49 : i32
    %scan3A_51 = arith.constant 1 : i32
    %scan3A_52 = scf.for %scan3A_78 = %scan3A_48 to %scan3A_50 step %scan3A_51 iter_args(%scan3A_79 = %scan3A_47) -> (i32)  : i32 {
      %mul3A_80 = arith.constant 2 : i32
      %mul3A_81 = arith.muli %mul3A_80, %scan3A_78 : i32
      %dma_wait3A_82 = arith.constant 0 : i32
      %dma_wait3A_83 = tpu.memref_slice %arg6[%mul3A_81, %dma_wait3A_82] : memref<80x128xi32, #tpu.memory_space<vmem>> -> memref<1x128xi32, #tpu.memory_space<vmem>>
      %dma_wait3A_84 = tpu.memref_squeeze %dma_wait3A_83 : memref<1x128xi32, #tpu.memory_space<vmem>> -> memref<128xi32, #tpu.memory_space<vmem>>
      %dma_wait3A_85 = arith.constant 0 : i32
      %dma_wait3A_86 = arith.constant 0 : i32
      %dma_wait3A_87 = tpu.memref_slice %arg11[%dma_wait3A_85, %dma_wait3A_86] : memref<10000x64xbf16, #tpu.memory_space<vmem_shared>> -> memref<10000x64xbf16, #tpu.memory_space<vmem_shared>>
      tpu.wait_indirect_dma semaphore(%arg13 : memref<!tpu.dma_semaphore, #tpu.memory_space<semaphore_mem>>) src(%dma_wait3A_87 : memref<10000x64xbf16, #tpu.memory_space<vmem_shared>>) dst(%arg8 : memref<128x64xbf16, #tpu.memory_space<vmem>>)
      "tpu.region"() ({
        %run_scoped3A_115 = tpu.sem_alloc : memref<!tpu.dma_semaphore, #tpu.memory_space<semaphore_mem>>
        %dma_start3A_116 = arith.constant 0 : i32
        %dma_start3A_117 = tpu.memref_slice %arg7[%mul3A_81, %dma_start3A_116] : memref<80x128xi32, #tpu.memory_space<vmem>> -> memref<1x128xi32, #tpu.memory_space<vmem>>
        %dma_start3A_118 = tpu.memref_squeeze %dma_start3A_117 : memref<1x128xi32, #tpu.memory_space<vmem>> -> memref<128xi32, #tpu.memory_space<vmem>>
        %dma_start3A_119 = arith.constant 0 : i32
        %dma_start3A_120 = tpu.memref_slice %arg12[%mul3A_1, %dma_start3A_119] : memref<20480x64xbf16, #tpu.memory_space<vmem_shared>> -> memref<10240x64xbf16, #tpu.memory_space<vmem_shared>>
        %dma_start3A_121 = arith.constant 0 : i32
        %dma_start3A_122 = arith.constant 0 : i32
        %dma_start3A_123 = tpu.memref_slice %dma_start3A_120[%dma_start3A_121, %dma_start3A_122] : memref<10240x64xbf16, #tpu.memory_space<vmem_shared>> -> memref<10240x64xbf16, #tpu.memory_space<vmem_shared>>
        tpu.enqueue_indirect_dma source(%arg8 : memref<128x64xbf16, #tpu.memory_space<vmem>>) target(%dma_start3A_123 : memref<10240x64xbf16, #tpu.memory_space<vmem_shared>>) offsets(%dma_start3A_118 : memref<128xi32, #tpu.memory_space<vmem>>) semaphore(%run_scoped3A_115 : memref<!tpu.dma_semaphore, #tpu.memory_space<semaphore_mem>>) {add = true}
        %dma_wait3A_124 = arith.constant 0 : i32
        %dma_wait3A_125 = tpu.memref_slice %arg7[%mul3A_81, %dma_wait3A_124] : memref<80x128xi32, #tpu.memory_space<vmem>> -> memref<1x128xi32, #tpu.memory_space<vmem>>
        %dma_wait3A_126 = tpu.memref_squeeze %dma_wait3A_125 : memref<1x128xi32, #tpu.memory_space<vmem>> -> memref<128xi32, #tpu.memory_space<vmem>>
        %dma_wait3A_127 = arith.constant 0 : i32
        %dma_wait3A_128 = tpu.memref_slice %arg12[%mul3A_1, %dma_wait3A_127] : memref<20480x64xbf16, #tpu.memory_space<vmem_shared>> -> memref<10240x64xbf16, #tpu.memory_space<vmem_shared>>
        %dma_wait3A_129 = arith.constant 0 : i32
        %dma_wait3A_130 = arith.constant 0 : i32
        %dma_wait3A_131 = tpu.memref_slice %dma_wait3A_128[%dma_wait3A_129, %dma_wait3A_130] : memref<10240x64xbf16, #tpu.memory_space<vmem_shared>> -> memref<10240x64xbf16, #tpu.memory_space<vmem_shared>>
        tpu.wait_indirect_dma semaphore(%run_scoped3A_115 : memref<!tpu.dma_semaphore, #tpu.memory_space<semaphore_mem>>) src(%arg8 : memref<128x64xbf16, #tpu.memory_space<vmem>>) dst(%dma_wait3A_131 : memref<10240x64xbf16, #tpu.memory_space<vmem_shared>>)
        tpu.yield
      }) : () -> ()
      %add3A_88 = arith.constant 2 : i32
      %add3A_89 = arith.addi %mul3A_81, %add3A_88 : i32
      %dma_start3A_90 = arith.constant 0 : i32
      %dma_start3A_91 = tpu.memref_slice %arg6[%add3A_89, %dma_start3A_90] : memref<80x128xi32, #tpu.memory_space<vmem>> -> memref<1x128xi32, #tpu.memory_space<vmem>>
      %dma_start3A_92 = tpu.memref_squeeze %dma_start3A_91 : memref<1x128xi32, #tpu.memory_space<vmem>> -> memref<128xi32, #tpu.memory_space<vmem>>
      %dma_start3A_93 = arith.constant 0 : i32
      %dma_start3A_94 = arith.constant 0 : i32
      %dma_start3A_95 = tpu.memref_slice %arg11[%dma_start3A_93, %dma_start3A_94] : memref<10000x64xbf16, #tpu.memory_space<vmem_shared>> -> memref<10000x64xbf16, #tpu.memory_space<vmem_shared>>
      tpu.enqueue_indirect_dma source(%dma_start3A_95 : memref<10000x64xbf16, #tpu.memory_space<vmem_shared>>) target(%arg8 : memref<128x64xbf16, #tpu.memory_space<vmem>>) offsets(%dma_start3A_92 : memref<128xi32, #tpu.memory_space<vmem>>) semaphore(%arg13 : memref<!tpu.dma_semaphore, #tpu.memory_space<semaphore_mem>>)
      %add3A_96 = arith.constant 1 : i32
      %add3A_97 = arith.addi %mul3A_81, %add3A_96 : i32
      %dma_wait3A_98 = arith.constant 0 : i32
      %dma_wait3A_99 = tpu.memref_slice %arg6[%add3A_97, %dma_wait3A_98] : memref<80x128xi32, #tpu.memory_space<vmem>> -> memref<1x128xi32, #tpu.memory_space<vmem>>
      %dma_wait3A_100 = tpu.memref_squeeze %dma_wait3A_99 : memref<1x128xi32, #tpu.memory_space<vmem>> -> memref<128xi32, #tpu.memory_space<vmem>>
      %dma_wait3A_101 = arith.constant 0 : i32
      %dma_wait3A_102 = arith.constant 0 : i32
      %dma_wait3A_103 = tpu.memref_slice %arg11[%dma_wait3A_101, %dma_wait3A_102] : memref<10000x64xbf16, #tpu.memory_space<vmem_shared>> -> memref<10000x64xbf16, #tpu.memory_space<vmem_shared>>
      tpu.wait_indirect_dma semaphore(%arg14 : memref<!tpu.dma_semaphore, #tpu.memory_space<semaphore_mem>>) src(%dma_wait3A_103 : memref<10000x64xbf16, #tpu.memory_space<vmem_shared>>) dst(%arg9 : memref<128x64xbf16, #tpu.memory_space<vmem>>)
      %add3A_104 = arith.constant 1 : i32
      %add3A_105 = arith.addi %mul3A_81, %add3A_104 : i32
      "tpu.region"() ({
        %run_scoped3A_115 = tpu.sem_alloc : memref<!tpu.dma_semaphore, #tpu.memory_space<semaphore_mem>>
        %dma_start3A_116 = arith.constant 0 : i32
        %dma_start3A_117 = tpu.memref_slice %arg7[%add3A_105, %dma_start3A_116] : memref<80x128xi32, #tpu.memory_space<vmem>> -> memref<1x128xi32, #tpu.memory_space<vmem>>
        %dma_start3A_118 = tpu.memref_squeeze %dma_start3A_117 : memref<1x128xi32, #tpu.memory_space<vmem>> -> memref<128xi32, #tpu.memory_space<vmem>>
        %dma_start3A_119 = arith.constant 0 : i32
        %dma_start3A_120 = tpu.memref_slice %arg12[%mul3A_1, %dma_start3A_119] : memref<20480x64xbf16, #tpu.memory_space<vmem_shared>> -> memref<10240x64xbf16, #tpu.memory_space<vmem_shared>>
        %dma_start3A_121 = arith.constant 0 : i32
        %dma_start3A_122 = arith.constant 0 : i32
        %dma_start3A_123 = tpu.memref_slice %dma_start3A_120[%dma_start3A_121, %dma_start3A_122] : memref<10240x64xbf16, #tpu.memory_space<vmem_shared>> -> memref<10240x64xbf16, #tpu.memory_space<vmem_shared>>
        tpu.enqueue_indirect_dma source(%arg9 : memref<128x64xbf16, #tpu.memory_space<vmem>>) target(%dma_start3A_123 : memref<10240x64xbf16, #tpu.memory_space<vmem_shared>>) offsets(%dma_start3A_118 : memref<128xi32, #tpu.memory_space<vmem>>) semaphore(%run_scoped3A_115 : memref<!tpu.dma_semaphore, #tpu.memory_space<semaphore_mem>>) {add = true}
        %dma_wait3A_124 = arith.constant 0 : i32
        %dma_wait3A_125 = tpu.memref_slice %arg7[%add3A_105, %dma_wait3A_124] : memref<80x128xi32, #tpu.memory_space<vmem>> -> memref<1x128xi32, #tpu.memory_space<vmem>>
        %dma_wait3A_126 = tpu.memref_squeeze %dma_wait3A_125 : memref<1x128xi32, #tpu.memory_space<vmem>> -> memref<128xi32, #tpu.memory_space<vmem>>
        %dma_wait3A_127 = arith.constant 0 : i32
        %dma_wait3A_128 = tpu.memref_slice %arg12[%mul3A_1, %dma_wait3A_127] : memref<20480x64xbf16, #tpu.memory_space<vmem_shared>> -> memref<10240x64xbf16, #tpu.memory_space<vmem_shared>>
        %dma_wait3A_129 = arith.constant 0 : i32
        %dma_wait3A_130 = arith.constant 0 : i32
        %dma_wait3A_131 = tpu.memref_slice %dma_wait3A_128[%dma_wait3A_129, %dma_wait3A_130] : memref<10240x64xbf16, #tpu.memory_space<vmem_shared>> -> memref<10240x64xbf16, #tpu.memory_space<vmem_shared>>
        tpu.wait_indirect_dma semaphore(%run_scoped3A_115 : memref<!tpu.dma_semaphore, #tpu.memory_space<semaphore_mem>>) src(%arg9 : memref<128x64xbf16, #tpu.memory_space<vmem>>) dst(%dma_wait3A_131 : memref<10240x64xbf16, #tpu.memory_space<vmem_shared>>)
        tpu.yield
      }) : () -> ()
      %add3A_106 = arith.constant 3 : i32
      %add3A_107 = arith.addi %mul3A_81, %add3A_106 : i32
      %dma_start3A_108 = arith.constant 0 : i32
      %dma_start3A_109 = tpu.memref_slice %arg6[%add3A_107, %dma_start3A_108] : memref<80x128xi32, #tpu.memory_space<vmem>> -> memref<1x128xi32, #tpu.memory_space<vmem>>
      %dma_start3A_110 = tpu.memref_squeeze %dma_start3A_109 : memref<1x128xi32, #tpu.memory_space<vmem>> -> memref<128xi32, #tpu.memory_space<vmem>>
      %dma_start3A_111 = arith.constant 0 : i32
      %dma_start3A_112 = arith.constant 0 : i32
      %dma_start3A_113 = tpu.memref_slice %arg11[%dma_start3A_111, %dma_start3A_112] : memref<10000x64xbf16, #tpu.memory_space<vmem_shared>> -> memref<10000x64xbf16, #tpu.memory_space<vmem_shared>>
      tpu.enqueue_indirect_dma source(%dma_start3A_113 : memref<10000x64xbf16, #tpu.memory_space<vmem_shared>>) target(%arg9 : memref<128x64xbf16, #tpu.memory_space<vmem>>) offsets(%dma_start3A_110 : memref<128xi32, #tpu.memory_space<vmem>>) semaphore(%arg14 : memref<!tpu.dma_semaphore, #tpu.memory_space<semaphore_mem>>)
      %scan3A_114 = arith.constant 0 : i32
      scf.yield %scan3A_114 : i32
    }
    %scan3A_53 = arith.constant 39 : i32
    %dma_wait3A_54 = arith.constant 78 : i32
    %dma_wait3A_55 = arith.constant 0 : i32
    %dma_wait3A_56 = tpu.memref_slice %arg6[%dma_wait3A_54, %dma_wait3A_55] : memref<80x128xi32, #tpu.memory_space<vmem>> -> memref<1x128xi32, #tpu.memory_space<vmem>>
    %dma_wait3A_57 = tpu.memref_squeeze %dma_wait3A_56 : memref<1x128xi32, #tpu.memory_space<vmem>> -> memref<128xi32, #tpu.memory_space<vmem>>
    %dma_wait3A_58 = arith.constant 0 : i32
    %dma_wait3A_59 = arith.constant 0 : i32
    %dma_wait3A_60 = tpu.memref_slice %arg11[%dma_wait3A_58, %dma_wait3A_59] : memref<10000x64xbf16, #tpu.memory_space<vmem_shared>> -> memref<10000x64xbf16, #tpu.memory_space<vmem_shared>>
    tpu.wait_indirect_dma semaphore(%arg13 : memref<!tpu.dma_semaphore, #tpu.memory_space<semaphore_mem>>) src(%dma_wait3A_60 : memref<10000x64xbf16, #tpu.memory_space<vmem_shared>>) dst(%arg8 : memref<128x64xbf16, #tpu.memory_space<vmem>>)
    %run_scoped3A = arith.constant 78 : i32
    "tpu.region"() ({
      %run_scoped3A_78 = tpu.sem_alloc : memref<!tpu.dma_semaphore, #tpu.memory_space<semaphore_mem>>
      %dma_start3A_79 = arith.constant 0 : i32
      %dma_start3A_80 = tpu.memref_slice %arg7[%run_scoped3A, %dma_start3A_79] : memref<80x128xi32, #tpu.memory_space<vmem>> -> memref<1x128xi32, #tpu.memory_space<vmem>>
      %dma_start3A_81 = tpu.memref_squeeze %dma_start3A_80 : memref<1x128xi32, #tpu.memory_space<vmem>> -> memref<128xi32, #tpu.memory_space<vmem>>
      %dma_start3A_82 = arith.constant 0 : i32
      %dma_start3A_83 = tpu.memref_slice %arg12[%mul3A_1, %dma_start3A_82] : memref<20480x64xbf16, #tpu.memory_space<vmem_shared>> -> memref<10240x64xbf16, #tpu.memory_space<vmem_shared>>
      %dma_start3A_84 = arith.constant 0 : i32
      %dma_start3A_85 = arith.constant 0 : i32
      %dma_start3A_86 = tpu.memref_slice %dma_start3A_83[%dma_start3A_84, %dma_start3A_85] : memref<10240x64xbf16, #tpu.memory_space<vmem_shared>> -> memref<10240x64xbf16, #tpu.memory_space<vmem_shared>>
      tpu.enqueue_indirect_dma source(%arg8 : memref<128x64xbf16, #tpu.memory_space<vmem>>) target(%dma_start3A_86 : memref<10240x64xbf16, #tpu.memory_space<vmem_shared>>) offsets(%dma_start3A_81 : memref<128xi32, #tpu.memory_space<vmem>>) semaphore(%run_scoped3A_78 : memref<!tpu.dma_semaphore, #tpu.memory_space<semaphore_mem>>) {add = true}
      %dma_wait3A_87 = arith.constant 0 : i32
      %dma_wait3A_88 = tpu.memref_slice %arg7[%run_scoped3A, %dma_wait3A_87] : memref<80x128xi32, #tpu.memory_space<vmem>> -> memref<1x128xi32, #tpu.memory_space<vmem>>
      %dma_wait3A_89 = tpu.memref_squeeze %dma_wait3A_88 : memref<1x128xi32, #tpu.memory_space<vmem>> -> memref<128xi32, #tpu.memory_space<vmem>>
      %dma_wait3A_90 = arith.constant 0 : i32
      %dma_wait3A_91 = tpu.memref_slice %arg12[%mul3A_1, %dma_wait3A_90] : memref<20480x64xbf16, #tpu.memory_space<vmem_shared>> -> memref<10240x64xbf16, #tpu.memory_space<vmem_shared>>
      %dma_wait3A_92 = arith.constant 0 : i32
      %dma_wait3A_93 = arith.constant 0 : i32
      %dma_wait3A_94 = tpu.memref_slice %dma_wait3A_91[%dma_wait3A_92, %dma_wait3A_93] : memref<10240x64xbf16, #tpu.memory_space<vmem_shared>> -> memref<10240x64xbf16, #tpu.memory_space<vmem_shared>>
      tpu.wait_indirect_dma semaphore(%run_scoped3A_78 : memref<!tpu.dma_semaphore, #tpu.memory_space<semaphore_mem>>) src(%arg8 : memref<128x64xbf16, #tpu.memory_space<vmem>>) dst(%dma_wait3A_94 : memref<10240x64xbf16, #tpu.memory_space<vmem_shared>>)
      tpu.yield
    }) : () -> ()
    %dma_wait3A_61 = arith.constant 79 : i32
    %dma_wait3A_62 = arith.constant 0 : i32
    %dma_wait3A_63 = tpu.memref_slice %arg6[%dma_wait3A_61, %dma_wait3A_62] : memref<80x128xi32, #tpu.memory_space<vmem>> -> memref<1x128xi32, #tpu.memory_space<vmem>>
    %dma_wait3A_64 = tpu.memref_squeeze %dma_wait3A_63 : memref<1x128xi32, #tpu.memory_space<vmem>> -> memref<128xi32, #tpu.memory_space<vmem>>
    %dma_wait3A_65 = arith.constant 0 : i32
    %dma_wait3A_66 = arith.constant 0 : i32
    %dma_wait3A_67 = tpu.memref_slice %arg11[%dma_wait3A_65, %dma_wait3A_66] : memref<10000x64xbf16, #tpu.memory_space<vmem_shared>> -> memref<10000x64xbf16, #tpu.memory_space<vmem_shared>>
    tpu.wait_indirect_dma semaphore(%arg14 : memref<!tpu.dma_semaphore, #tpu.memory_space<semaphore_mem>>) src(%dma_wait3A_67 : memref<10000x64xbf16, #tpu.memory_space<vmem_shared>>) dst(%arg9 : memref<128x64xbf16, #tpu.memory_space<vmem>>)
    %run_scoped3A_68 = arith.constant 79 : i32
    "tpu.region"() ({
      %run_scoped3A_78 = tpu.sem_alloc : memref<!tpu.dma_semaphore, #tpu.memory_space<semaphore_mem>>
      %dma_start3A_79 = arith.constant 0 : i32
      %dma_start3A_80 = tpu.memref_slice %arg7[%run_scoped3A_68, %dma_start3A_79] : memref<80x128xi32, #tpu.memory_space<vmem>> -> memref<1x128xi32, #tpu.memory_space<vmem>>
      %dma_start3A_81 = tpu.memref_squeeze %dma_start3A_80 : memref<1x128xi32, #tpu.memory_space<vmem>> -> memref<128xi32, #tpu.memory_space<vmem>>
      %dma_start3A_82 = arith.constant 0 : i32
      %dma_start3A_83 = tpu.memref_slice %arg12[%mul3A_1, %dma_start3A_82] : memref<20480x64xbf16, #tpu.memory_space<vmem_shared>> -> memref<10240x64xbf16, #tpu.memory_space<vmem_shared>>
      %dma_start3A_84 = arith.constant 0 : i32
      %dma_start3A_85 = arith.constant 0 : i32
      %dma_start3A_86 = tpu.memref_slice %dma_start3A_83[%dma_start3A_84, %dma_start3A_85] : memref<10240x64xbf16, #tpu.memory_space<vmem_shared>> -> memref<10240x64xbf16, #tpu.memory_space<vmem_shared>>
      tpu.enqueue_indirect_dma source(%arg9 : memref<128x64xbf16, #tpu.memory_space<vmem>>) target(%dma_start3A_86 : memref<10240x64xbf16, #tpu.memory_space<vmem_shared>>) offsets(%dma_start3A_81 : memref<128xi32, #tpu.memory_space<vmem>>) semaphore(%run_scoped3A_78 : memref<!tpu.dma_semaphore, #tpu.memory_space<semaphore_mem>>) {add = true}
      %dma_wait3A_87 = arith.constant 0 : i32
      %dma_wait3A_88 = tpu.memref_slice %arg7[%run_scoped3A_68, %dma_wait3A_87] : memref<80x128xi32, #tpu.memory_space<vmem>> -> memref<1x128xi32, #tpu.memory_space<vmem>>
      %dma_wait3A_89 = tpu.memref_squeeze %dma_wait3A_88 : memref<1x128xi32, #tpu.memory_space<vmem>> -> memref<128xi32, #tpu.memory_space<vmem>>
      %dma_wait3A_90 = arith.constant 0 : i32
      %dma_wait3A_91 = tpu.memref_slice %arg12[%mul3A_1, %dma_wait3A_90] : memref<20480x64xbf16, #tpu.memory_space<vmem_shared>> -> memref<10240x64xbf16, #tpu.memory_space<vmem_shared>>
      %dma_wait3A_92 = arith.constant 0 : i32
      %dma_wait3A_93 = arith.constant 0 : i32
      %dma_wait3A_94 = tpu.memref_slice %dma_wait3A_91[%dma_wait3A_92, %dma_wait3A_93] : memref<10240x64xbf16, #tpu.memory_space<vmem_shared>> -> memref<10240x64xbf16, #tpu.memory_space<vmem_shared>>
      tpu.wait_indirect_dma semaphore(%run_scoped3A_78 : memref<!tpu.dma_semaphore, #tpu.memory_space<semaphore_mem>>) src(%arg9 : memref<128x64xbf16, #tpu.memory_space<vmem>>) dst(%dma_wait3A_94 : memref<10240x64xbf16, #tpu.memory_space<vmem_shared>>)
      tpu.yield
    }) : () -> ()
    %barrier3A_69 = arith.constant 0 : index
    tpu.barrier barrier_id(%barrier3A_69)
    %mul3A_70 = arith.constant 2 : i32
    %mul3A_71 = arith.muli %mul3A_70, %arg1 : i32
    %mul3A_72 = arith.constant 640 : i32
    %mul3A_73 = arith.muli %mul3A_71, %mul3A_72 : i32
    %mul3A_74 = arith.constant 2 : i32
    %mul3A_75 = arith.muli %mul3A_74, %arg1 : i32
    %mul3A_76 = arith.constant 640 : i32
    %mul3A_77 = arith.muli %mul3A_75, %mul3A_76 : i32
    "tpu.region"() ({
      %run_scoped3A_78 = tpu.sem_alloc : memref<!tpu.dma_semaphore, #tpu.memory_space<semaphore_mem>>
      %dma_start3A_79 = arith.constant 0 : i32
      %dma_start3A_80 = tpu.memref_slice %arg5[%arg0, %mul3A_77, %dma_start3A_79] : memref<2x20480x64xbf16, #tpu.memory_space<hbm>> -> memref<1x1280x64xbf16, #tpu.memory_space<hbm>>
      %dma_start3A_81 = tpu.memref_squeeze %dma_start3A_80 : memref<1x1280x64xbf16, #tpu.memory_space<hbm>> -> memref<1280x64xbf16, #tpu.memory_space<hbm>>
      %dma_start3A_82 = arith.constant 0 : i32
      %dma_start3A_83 = tpu.memref_slice %arg12[%mul3A_73, %dma_start3A_82] : memref<20480x64xbf16, #tpu.memory_space<vmem_shared>> -> memref<1280x64xbf16, #tpu.memory_space<vmem_shared>>
      tpu.enqueue_dma source(%dma_start3A_83 : memref<1280x64xbf16, #tpu.memory_space<vmem_shared>>) target(%dma_start3A_81 : memref<1280x64xbf16, #tpu.memory_space<hbm>>) target_semaphore(%run_scoped3A_78 : memref<!tpu.dma_semaphore, #tpu.memory_space<semaphore_mem>>)
      %dma_wait3A_84 = arith.constant 0 : i32
      %dma_wait3A_85 = tpu.memref_slice %arg5[%arg0, %mul3A_77, %dma_wait3A_84] : memref<2x20480x64xbf16, #tpu.memory_space<hbm>> -> memref<1x1280x64xbf16, #tpu.memory_space<hbm>>
      %dma_wait3A_86 = tpu.memref_squeeze %dma_wait3A_85 : memref<1x1280x64xbf16, #tpu.memory_space<hbm>> -> memref<1280x64xbf16, #tpu.memory_space<hbm>>
      %dma_wait3A_87 = arith.constant 0 : i32
      %dma_wait3A_88 = tpu.memref_slice %arg12[%mul3A_73, %dma_wait3A_87] : memref<20480x64xbf16, #tpu.memory_space<vmem_shared>> -> memref<1280x64xbf16, #tpu.memory_space<vmem_shared>>
      tpu.wait_dma2 semaphore(%run_scoped3A_78 : memref<!tpu.dma_semaphore, #tpu.memory_space<semaphore_mem>>) src(%dma_wait3A_88 : memref<1280x64xbf16, #tpu.memory_space<vmem_shared>>) dst(%dma_wait3A_86 : memref<1280x64xbf16, #tpu.memory_space<hbm>>)
      tpu.yield
    }) : () -> ()
    return
  }
}

module attributes {stable_mosaic.version = 14 : i64} {
  func.func @_lin1_body(%arg0: memref<10000x128xf32, #tpu.memory_space<vmem>>, %arg1: memref<128x64xf32, #tpu.memory_space<vmem>>, %arg2: memref<2x10240xf32, #tpu.memory_space<vmem>>, %arg3: memref<10000x64xbf16, #tpu.memory_space<vmem>>, %arg4: memref<1x10240xf32, #tpu.memory_space<vmem>>) attributes {dimension_semantics = [], scalar_prefetch = 0 : i64, scratch_operands = 0 : i64, tpu.core_type = #tpu.core_type<tc>} {
    %get3A = arith.constant 0 : index
    %get3A_0 = arith.constant 0 : index
    %get3A_1 = vector.load %arg2[%get3A, %get3A_0] : memref<2x10240xf32, #tpu.memory_space<vmem>>, vector<2x10240xf32>
    %reduce_sum3A = arith.constant dense<0.000000e+00> : vector<10240xf32>
    %reduce_sum3A_2 = vector.multi_reduction <add>, %get3A_1, %reduce_sum3A [0] : vector<2x10240xf32> to vector<10240xf32>
    %broadcast_in_dim3A = vector.shape_cast %reduce_sum3A_2 : vector<10240xf32> to vector<1x10240xf32>
    %add3A = arith.constant 1.000000e+00 : f32
    %add3A_3 = vector.broadcast %add3A : f32 to vector<1x10240xf32>
    %add3A_4 = arith.addf %broadcast_in_dim3A, %add3A_3 : vector<1x10240xf32>
    %rsqrt3A = math.rsqrt %add3A_4 : vector<1x10240xf32>
    %swap3A = arith.constant 0 : index
    %swap3A_5 = arith.constant 0 : index
    %swap3A_6 = vector.load %arg4[%swap3A, %swap3A_5] : memref<1x10240xf32, #tpu.memory_space<vmem>>, vector<1x10240xf32>
    tpu.vector_store %arg4[%swap3A, %swap3A_5], %rsqrt3A {strides = array<i32>} : memref<1x10240xf32, #tpu.memory_space<vmem>>, vector<1x10240xf32>,
    %broadcast_in_dim3A_7 = arith.constant 1.000000e+00 : f32
    %broadcast_in_dim3A_8 = vector.broadcast %broadcast_in_dim3A_7 : f32 to vector<2x1xf32>
    %dot_general3A = arith.constant dense<0.000000e+00> : vector<10240x1xf32>
    %dot_general3A_9 = tpu.matmul %get3A_1, %broadcast_in_dim3A_8, %dot_general3A {dimension_numbers = #tpu.dot_dimension_numbers<[0], [0], [1], [1], [0, 1, 1, 1], [], []>, transpose_lhs_hint = false} : vector<2x10240xf32>, vector<2x1xf32>, vector<10240x1xf32> -> vector<10240x1xf32>
    %add3A_10 = arith.constant 1.000000e+00 : f32
    %add3A_11 = vector.broadcast %add3A_10 : f32 to vector<10240x1xf32>
    %add3A_12 = arith.addf %dot_general3A_9, %add3A_11 : vector<10240x1xf32>
    %rsqrt3A_13 = math.rsqrt %add3A_12 : vector<10240x1xf32>
    %get3A_14 = arith.constant 0 : index
    %get3A_15 = arith.constant 0 : index
    %get3A_16 = vector.load %arg0[%get3A_14, %get3A_15] : memref<10000x128xf32, #tpu.memory_space<vmem>>, vector<10000x128xf32>
    %get3A_17 = arith.constant 0 : index
    %get3A_18 = arith.constant 0 : index
    %get3A_19 = vector.load %arg1[%get3A_17, %get3A_18] : memref<128x64xf32, #tpu.memory_space<vmem>>, vector<128x64xf32>
    %dot_general3A_20 = arith.constant dense<0.000000e+00> : vector<10000x64xf32>
    %dot_general3A_21 = tpu.matmul %get3A_16, %get3A_19, %dot_general3A_20 {dimension_numbers = #tpu.dot_dimension_numbers<[1], [0], [0], [1], [0, 0, 1, 1], [], []>, transpose_lhs_hint = false} : vector<10000x128xf32>, vector<128x64xf32>, vector<10000x64xf32> -> vector<10000x64xf32>
    %slice3A = vector.extract_strided_slice %rsqrt3A_13 {offsets = [0, 0], sizes = [10000, 1], strides = [1, 1]} : vector<10240x1xf32> to vector<10000x1xf32>
    %mul3A = vector.broadcast %slice3A : vector<10000x1xf32> to vector<10000x64xf32>
    %mul3A_22 = arith.mulf %mul3A, %dot_general3A_21 : vector<10000x64xf32>
    %convert_element_type3A = arith.truncf %mul3A_22 : vector<10000x64xf32> to vector<10000x64xbf16>
    %swap3A_23 = arith.constant 0 : index
    %swap3A_24 = arith.constant 0 : index
    %swap3A_25 = vector.load %arg3[%swap3A_23, %swap3A_24] : memref<10000x64xbf16, #tpu.memory_space<vmem>>, vector<10000x64xbf16>
    tpu.vector_store %arg3[%swap3A_23, %swap3A_24], %convert_element_type3A {strides = array<i32>} : memref<10000x64xbf16, #tpu.memory_space<vmem>>, vector<10000x64xbf16>,
    return
  }
}

module attributes {stable_mosaic.version = 14 : i64} {
  func.func @_lin2_body(%arg0: memref<2x20480x64xbf16, #tpu.memory_space<vmem>>, %arg1: memref<2x10240xf32, #tpu.memory_space<vmem>>, %arg2: memref<10000x64xbf16, #tpu.memory_space<vmem>>, %arg3: memref<64xf32, #tpu.memory_space<vmem>>, %arg4: memref<64x1xf32, #tpu.memory_space<vmem>>, %arg5: memref<10240x1xf32, #tpu.memory_space<vmem>>) attributes {dimension_semantics = [], scalar_prefetch = 0 : i64, scratch_operands = 0 : i64, tpu.core_type = #tpu.core_type<tc>} {
    %get3A = arith.constant 0 : index
    %get3A_0 = arith.constant 0 : index
    %get3A_1 = vector.load %arg1[%get3A, %get3A_0] : memref<2x10240xf32, #tpu.memory_space<vmem>>, vector<2x10240xf32>
    %broadcast_in_dim3A = arith.constant 1.000000e+00 : f32
    %broadcast_in_dim3A_2 = vector.broadcast %broadcast_in_dim3A : f32 to vector<2x1xf32>
    %dot_general3A = arith.constant dense<0.000000e+00> : vector<10240x1xf32>
    %dot_general3A_3 = tpu.matmul %get3A_1, %broadcast_in_dim3A_2, %dot_general3A {dimension_numbers = #tpu.dot_dimension_numbers<[0], [0], [1], [1], [0, 1, 1, 1], [], []>, transpose_lhs_hint = false} : vector<2x10240xf32>, vector<2x1xf32>, vector<10240x1xf32> -> vector<10240x1xf32>
    %add3A = arith.constant 1.000000e+00 : f32
    %add3A_4 = vector.broadcast %add3A : f32 to vector<10240x1xf32>
    %add3A_5 = arith.addf %dot_general3A_3, %add3A_4 : vector<10240x1xf32>
    %rsqrt3A = math.rsqrt %add3A_5 : vector<10240x1xf32>
    %get3A_6 = arith.constant 0 : index
    %get3A_7 = arith.constant 0 : index
    %get3A_8 = arith.constant 0 : index
    %get3A_9 = vector.load %arg0[%get3A_6, %get3A_7, %get3A_8] : memref<2x20480x64xbf16, #tpu.memory_space<vmem>>, vector<1x10000x64xbf16>
    %get3A_10 = vector.shape_cast %get3A_9 : vector<1x10000x64xbf16> to vector<10000x64xbf16>
    %convert_element_type3A = arith.extf %get3A_10 : vector<10000x64xbf16> to vector<10000x64xf32>
    %get3A_11 = arith.constant 0 : index
    %get3A_12 = arith.constant 10240 : index
    %get3A_13 = arith.constant 0 : index
    %get3A_14 = vector.load %arg0[%get3A_11, %get3A_12, %get3A_13] : memref<2x20480x64xbf16, #tpu.memory_space<vmem>>, vector<1x10000x64xbf16>
    %get3A_15 = vector.shape_cast %get3A_14 : vector<1x10000x64xbf16> to vector<10000x64xbf16>
    %convert_element_type3A_16 = arith.extf %get3A_15 : vector<10000x64xbf16> to vector<10000x64xf32>
    %add3A_17 = arith.addf %convert_element_type3A, %convert_element_type3A_16 : vector<10000x64xf32>
    %get3A_18 = arith.constant 1 : index
    %get3A_19 = arith.constant 0 : index
    %get3A_20 = arith.constant 0 : index
    %get3A_21 = vector.load %arg0[%get3A_18, %get3A_19, %get3A_20] : memref<2x20480x64xbf16, #tpu.memory_space<vmem>>, vector<1x10000x64xbf16>
    %get3A_22 = vector.shape_cast %get3A_21 : vector<1x10000x64xbf16> to vector<10000x64xbf16>
    %convert_element_type3A_23 = arith.extf %get3A_22 : vector<10000x64xbf16> to vector<10000x64xf32>
    %add3A_24 = arith.addf %add3A_17, %convert_element_type3A_23 : vector<10000x64xf32>
    %get3A_25 = arith.constant 1 : index
    %get3A_26 = arith.constant 10240 : index
    %get3A_27 = arith.constant 0 : index
    %get3A_28 = vector.load %arg0[%get3A_25, %get3A_26, %get3A_27] : memref<2x20480x64xbf16, #tpu.memory_space<vmem>>, vector<1x10000x64xbf16>
    %get3A_29 = vector.shape_cast %get3A_28 : vector<1x10000x64xbf16> to vector<10000x64xbf16>
    %convert_element_type3A_30 = arith.extf %get3A_29 : vector<10000x64xbf16> to vector<10000x64xf32>
    %add3A_31 = arith.addf %add3A_24, %convert_element_type3A_30 : vector<10000x64xf32>
    %get3A_32 = arith.constant 0 : index
    %get3A_33 = arith.constant 0 : index
    %get3A_34 = vector.load %arg2[%get3A_32, %get3A_33] : memref<10000x64xbf16, #tpu.memory_space<vmem>>, vector<10000x64xbf16>
    %convert_element_type3A_35 = arith.extf %get3A_34 : vector<10000x64xbf16> to vector<10000x64xf32>
    %add3A_36 = arith.addf %add3A_31, %convert_element_type3A_35 : vector<10000x64xf32>
    %slice3A = vector.extract_strided_slice %rsqrt3A {offsets = [0, 0], sizes = [10000, 1], strides = [1, 1]} : vector<10240x1xf32> to vector<10000x1xf32>
    %mul3A = vector.broadcast %slice3A : vector<10000x1xf32> to vector<10000x64xf32>
    %mul3A_37 = arith.mulf %mul3A, %add3A_36 : vector<10000x64xf32>
    %get3A_38 = arith.constant 0 : index
    %get3A_39 = vector.load %arg3[%get3A_38] : memref<64xf32, #tpu.memory_space<vmem>>, vector<64xf32>
    %broadcast_in_dim3A_40 = vector.shape_cast %get3A_39 : vector<64xf32> to vector<1x64xf32>
    %add3A_41 = vector.broadcast %broadcast_in_dim3A_40 : vector<1x64xf32> to vector<10000x64xf32>
    %add3A_42 = arith.addf %mul3A_37, %add3A_41 : vector<10000x64xf32>
    %max3A = arith.constant 0.000000e+00 : f32
    %max3A_43 = vector.broadcast %max3A : f32 to vector<10000x64xf32>
    %max3A_44 = arith.maximumf %add3A_42, %max3A_43 : vector<10000x64xf32>
    %get3A_45 = arith.constant 0 : index
    %get3A_46 = arith.constant 0 : index
    %get3A_47 = vector.load %arg4[%get3A_45, %get3A_46] : memref<64x1xf32, #tpu.memory_space<vmem>>, vector<64x1xf32>
    %dot_general3A_48 = arith.constant dense<0.000000e+00> : vector<10000x1xf32>
    %dot_general3A_49 = tpu.matmul %max3A_44, %get3A_47, %dot_general3A_48 {dimension_numbers = #tpu.dot_dimension_numbers<[1], [0], [0], [1], [0, 0, 1, 1], [], []>, transpose_lhs_hint = false} : vector<10000x64xf32>, vector<64x1xf32>, vector<10000x1xf32> -> vector<10000x1xf32>
    %slice3A_50 = vector.extract_strided_slice %rsqrt3A {offsets = [0, 0], sizes = [10000, 1], strides = [1, 1]} : vector<10240x1xf32> to vector<10000x1xf32>
    %mul3A_51 = arith.mulf %slice3A_50, %dot_general3A_49 : vector<10000x1xf32>
    %swap3A = arith.constant 0 : index
    %swap3A_52 = arith.constant 0 : index
    %swap3A_53 = vector.load %arg5[%swap3A, %swap3A_52] : memref<10240x1xf32, #tpu.memory_space<vmem>>, vector<10000x1xf32>
    tpu.vector_store %arg5[%swap3A, %swap3A_52], %mul3A_51 {strides = array<i32>} : memref<10240x1xf32, #tpu.memory_space<vmem>>, vector<10000x1xf32>,
    %broadcast_in_dim3A_54 = arith.constant 0.000000e+00 : f32
    %broadcast_in_dim3A_55 = vector.broadcast %broadcast_in_dim3A_54 : f32 to vector<240x1xf32>
    %swap3A_56 = arith.constant 10000 : index
    %swap3A_57 = arith.constant 0 : index
    %swap3A_58 = vector.load %arg5[%swap3A_56, %swap3A_57] : memref<10240x1xf32, #tpu.memory_space<vmem>>, vector<240x1xf32>
    tpu.vector_store %arg5[%swap3A_56, %swap3A_57], %broadcast_in_dim3A_55 {strides = array<i32>} : memref<10240x1xf32, #tpu.memory_space<vmem>>, vector<240x1xf32>,
    return
  }
}

module attributes {stable_mosaic.version = 14 : i64} {
  func.func @_fin_body(%arg0: memref<2x10240xf32, #tpu.memory_space<vmem>>, %arg1: memref<1x10240xf32, #tpu.memory_space<vmem>>, %arg2: memref<1x10240xf32, #tpu.memory_space<vmem>>, %arg3: memref<1xf32, #tpu.memory_space<vmem>>, %arg4: memref<1x10000xf32, #tpu.memory_space<vmem>>) attributes {dimension_semantics = [], scalar_prefetch = 0 : i64, scratch_operands = 0 : i64, tpu.core_type = #tpu.core_type<tc>} {
    %get3A = arith.constant 0 : index
    %get3A_0 = arith.constant 0 : index
    %get3A_1 = vector.load %arg0[%get3A, %get3A_0] : memref<2x10240xf32, #tpu.memory_space<vmem>>, vector<2x10240xf32>
    %reduce_sum3A = arith.constant dense<0.000000e+00> : vector<10240xf32>
    %reduce_sum3A_2 = vector.multi_reduction <add>, %get3A_1, %reduce_sum3A [0] : vector<2x10240xf32> to vector<10240xf32>
    %broadcast_in_dim3A = vector.shape_cast %reduce_sum3A_2 : vector<10240xf32> to vector<1x10240xf32>
    %get3A_3 = arith.constant 0 : index
    %get3A_4 = arith.constant 0 : index
    %get3A_5 = vector.load %arg2[%get3A_3, %get3A_4] : memref<1x10240xf32, #tpu.memory_space<vmem>>, vector<1x10000xf32>
    %slice3A = vector.extract_strided_slice %broadcast_in_dim3A {offsets = [0, 0], sizes = [1, 10000], strides = [1, 1]} : vector<1x10240xf32> to vector<1x10000xf32>
    %get3A_6 = arith.constant 0 : index
    %get3A_7 = arith.constant 0 : index
    %get3A_8 = vector.load %arg1[%get3A_6, %get3A_7] : memref<1x10240xf32, #tpu.memory_space<vmem>>, vector<1x10000xf32>
    %add3A = arith.addf %slice3A, %get3A_8 : vector<1x10000xf32>
    %mul3A = arith.mulf %get3A_5, %add3A : vector<1x10000xf32>
    %get3A_9 = arith.constant 0 : index
    %get3A_10 = vector.load %arg3[%get3A_9] : memref<1xf32, #tpu.memory_space<vmem>>, vector<1xf32>
    %broadcast_in_dim3A_11 = vector.shape_cast %get3A_10 : vector<1xf32> to vector<1x1xf32>
    %add3A_12 = vector.broadcast %broadcast_in_dim3A_11 : vector<1x1xf32> to vector<1x10000xf32>
    %add3A_13 = arith.addf %mul3A, %add3A_12 : vector<1x10000xf32>
    %swap3A = arith.constant 0 : index
    %swap3A_14 = arith.constant 0 : index
    %swap3A_15 = vector.load %arg4[%swap3A, %swap3A_14] : memref<1x10000xf32, #tpu.memory_space<vmem>>, vector<1x10000xf32>
    tpu.vector_store %arg4[%swap3A, %swap3A_14], %add3A_13 {strides = array<i32>} : memref<1x10000xf32, #tpu.memory_space<vmem>>, vector<1x10000xf32>,
    return
  }
}

</mosaic_0001>

<sc_bundles>
// kernel: kernel.11.cloned.1.call-start
scs
__scs_entry_jumppad:
0x0: {  	(pc) =	sbr.rel $0x88, $3  }
0x1: {  	(tag) =	ssettag $0x0;
	lr =	simm.s32 $0x1  }
0x2: {  	[smem:$0x3F9B] =	sst lr;
	_ =	strace $0xD0000000  }
0x3: {  	_ = 	snop  }
0x4: {  	_ = 	snop  }
0x5: {  	_ = 	snop  }
0x6: {  	_ = 	snop  }
0x7: {  	_ = 	snop  }
__scs_overlays_trampoline_lowered:
0x8: {  	[smem:$0x3FAA] =	sst s0  }
0x9: {  	[smem:$0x3FAB] =	sst s1  }
0xa: {  	[smem:$0x3FAC] =	sst s2  }
0xb: {  	[smem:$0x3FAD] =	sst s3  }
0xc: {  	[smem:$0x3FAE] =	sst s4  }
0xd: {  	[smem:$0x3FAF] =	sst s5  }
0xe: {  	[smem:$0x3FB0] =	sst s6  }
0xf: {  	[smem:$0x3FB1] =	sst s7  }
0x10: {  	[smem:$0x3FB2] =	sst s8  }
0x11: {  	[smem:$0x3FB3] =	sst s9;
	s0 =	simm.s32 @!p0 $0x0  }
0x12: {  	s1 =	sld [smem:$0x3F99];
	s0 =	simm.s32 @p0 $0x1  }
0x13: {  	[smem:$0x3FB4] =	sst s0;
	s0 =	simm.s32 @!p1 $0x0  }
0x14: {  	s2 =	sld [smem:$0x3F98];
	s0 =	simm.s32 @p1 $0x1  }
0x15: {  	[smem:$0x3FB5] =	sst s0;
	s0 =	simm.s32 @!p2 $0x0  }
0x16: {  	s3 =	sld [smem:$0x3FDB];
	s0 =	simm.s32 @p2 $0x1  }
0x17: {  	s4 =	simm.s32 $0x1BF5;
	[smem:$0x3FB7] =	sst s0  }
0x18: {  	s0 =	sld [smem:$0x3F9A];
	_ =	swait.ge [sflag:s4], $0x0  }
0x19: {  	s7 =	sld [smem:$0x3F9B]  }
0x1a: {  	s8 =	sadd.s32 $0xFFFFE003, lr  }
0x1b: {  	s9 =	sadd.s32 $0xFFFFFEF7, lr;
	s5 =	simm.s32 $0xFFFFFFFF;
	p2 =	slt.u32 s8, $0xFFFFF086  }
0x1c: {  	p1 =	slt.u32 s9, $0xF7A;
	s5 =	simm.s32 @!p2 $0x0  }
0x1d: {  	s5 =	simm.s32 @p1 $0x1;
	p0 =	seq.s32 s7, s2  }
0x1e: {  	s7 =	smul.u32 @!p0 $0xF7A, s2;
	p2 =	seq.s32 @!p0 s5, $0x0  }
0x1f: {  	s9 =	smul.u32 $0xF7A, s1;
	s8 =	simm.s32 @!p0 $0x1BF5;
	p2 =	por !p2, p0  }
0x20: {  	[sflag:s8] =	ssyncset.s32 @!p0 $0xFFFFF086;
	s6 =	sadd.s32 @!p0 s3, s7;
	s7 =	simm.s32 @!p0 $0x108  }
0x21: {  	s3 =	sadd.s32 s3, s9;
	s6 =	sadd.s32 @!p0 $0x88, s6;
	s7 =	simm.s32 @p2 $0x1082  }
0x22: {  	[simem:s7], [sflag:s8] =	dma.local @!p0 [hbm:s6], $0xF7A  }
0x23: {  	s9 =	sor.u32 $0xD0000000, s2;
	s6 =	simm.s32 $0x108;
	_ =	swait.ge @!p0 [sflag:s8], $0x0  }
0x24: {  	s3 =	sadd.s32 $0x88, s3;
	s6 =	simm.s32 @!p1 $0x1082;
	[sflag:s4] =	ssyncset.s32 $0xFFFFF086  }
0x25: {  	[simem:s6], [sflag:s4] =	dma.local [hbm:s3], $0xF7A  }
0x26: {  	[smem:$0x3F9B] =	sst s1;
	(tag) =	ssettag s2;
	_ =	strace s9  }
0x27: {  	s1 =	sld [smem:$0x3FAB]  }
0x28: {  	s2 =	sld [smem:$0x3FAC]  }
0x29: {  	s4 =	sld [smem:$0x3FAE]  }
0x2a: {  	p0 =	seq.s32 s5, $0x0;
	s5 =	sld [smem:$0x3FAF]  }
0x2b: {  	s6 =	sld [smem:$0x3FB0]  }
0x2c: {  	s7 =	sld [smem:$0x3FB1]  }
0x2d: {  	s3 =	simm.s32 $0x108;
	s8 =	sld [smem:$0x3FB2]  }
0x2e: {  	s3 =	simm.s32 @!p0 $0x1082;
	s9 =	sld [smem:$0x3FB3]  }
0x2f: {  	lr =	sadd.s32 s0, s3;
	s0 =	sld [smem:$0x3FAA]  }
0x30: {  	s3 =	sld [smem:$0x3FAD]  }
0x31: {  	[smem:$0x3FB6] =	sst s10  }
0x32: {  	s10 =	sld [smem:$0x3FB4];
	_ =	sdelay $0x3  }
0x33: {  	p0 =	seq.s32 s10, $0x1;
	s10 =	sld [smem:$0x3FB6];
	_ =	sdelay $0x3  }
0x34: {  	[smem:$0x3FB6] =	sst s10  }
0x35: {  	s10 =	sld [smem:$0x3FB5];
	_ =	sdelay $0x3  }
0x36: {  	p1 =	seq.s32 s10, $0x1;
	s10 =	sld [smem:$0x3FB6];
	_ =	sdelay $0x3  }
0x37: {  	[smem:$0x3FB6] =	sst s10  }
0x38: {  	s10 =	sld [smem:$0x3FB7]  }
0x39: {  	_ = 	snop;
	(pc) =	sbr.ind lr, $3  }
0x3a: {  	_ = 	snop  }
0x3b: {  	_ = 	snop  }
0x3c: {  	p2 =	seq.s32 s10, $0x1;
	s10 =	sld [smem:$0x3FB6]  }
0x3d: {  	_ =	shalt  }
0x3e: {  	_ =	shalt  }
0x3f: {  	_ =	shalt  }
0x40: {  	_ =	shalt  }
0x41: {  	_ =	shalt  }
0x42: {  	_ =	shalt  }
0x43: {  	_ =	shalt  }
0x44: {  	_ =	shalt  }
0x45: {  	_ =	shalt  }
0x46: {  	_ =	shalt  }
0x47: {  	_ =	shalt  }
0x48: {  	_ =	shalt  }
0x49: {  	_ =	shalt  }
0x4a: {  	_ =	shalt  }
0x4b: {  	_ =	shalt  }
0x4c: {  	_ =	shalt  }
0x4d: {  	_ =	shalt  }
0x4e: {  	_ =	shalt  }
0x4f: {  	_ =	shalt  }
0x50: {  	_ =	shalt  }
0x51: {  	_ =	shalt  }
0x52: {  	_ =	shalt  }
0x53: {  	_ =	shalt  }
0x54: {  	_ =	shalt  }
0x55: {  	_ =	shalt  }
0x56: {  	_ =	shalt  }
0x57: {  	_ =	shalt  }
0x58: {  	_ =	shalt  }
0x59: {  	_ =	shalt  }
0x5a: {  	_ =	shalt  }
0x5b: {  	_ =	shalt  }
0x5c: {  	_ =	shalt  }
0x5d: {  	_ =	shalt  }
0x5e: {  	_ =	shalt  }
0x5f: {  	_ =	shalt  }
0x60: {  	_ =	shalt  }
0x61: {  	_ =	shalt  }
0x62: {  	_ =	shalt  }
0x63: {  	_ =	shalt  }
0x64: {  	_ =	shalt  }
0x65: {  	_ =	shalt  }
0x66: {  	_ =	shalt  }
0x67: {  	_ =	shalt  }
0x68: {  	_ =	shalt  }
0x69: {  	_ =	shalt  }
0x6a: {  	_ =	shalt  }
0x6b: {  	_ =	shalt  }
0x6c: {  	_ =	shalt  }
0x6d: {  	_ =	shalt  }
0x6e: {  	_ =	shalt  }
0x6f: {  	_ =	shalt  }
0x70: {  	_ =	shalt  }
0x71: {  	_ =	shalt  }
0x72: {  	_ =	shalt  }
0x73: {  	_ =	shalt  }
0x74: {  	_ =	shalt  }
0x75: {  	_ =	shalt  }
0x76: {  	_ =	shalt  }
0x77: {  	_ =	shalt  }
0x78: {  	_ =	shalt  }
0x79: {  	_ =	shalt  }
0x7a: {  	_ =	shalt  }
0x7b: {  	_ =	shalt  }
0x7c: {  	_ =	shalt  }
0x7d: {  	_ =	shalt  }
0x7e: {  	_ =	shalt  }
0x7f: {  	_ =	shalt  }
0x80: {  	_ =	shalt  }
0x81: {  	_ =	shalt  }
0x82: {  	_ =	shalt  }
0x83: {  	_ =	shalt  }
0x84: {  	_ =	shalt  }
0x85: {  	_ =	shalt  }
0x86: {  	_ =	shalt  }
0x87: {  	_ =	shalt  }
.Lfunc_end0:
.L_simem_size_0:
called_computation.1_lowered:
.L_overlay_start_0:
0x88: {  	s2 =	sld [smem:$0x3FD9]  }
0x89: {  	s3 =	sld [smem:$0x3FFE];
	_ =	sdelay $0x1  }
0x8a: {  	s1 =	srdreg.scid  }
0x8b: {  	s0 =	sand.u32 $0x1, s1  }
0x8c: {  	s16 =	sshll.u32 s0, $0xA;
	s2 =	sadd.s32 s3, s2  }
0x8d: {  	s2 =	sadd.s32 s2, s16  }
0x8e: {  	[smem:$0x3FC2] =	sst s2  }
0x8f: {  	_ = 	snop  }
0x90: {  	(tm) =	ssettm $0x1  }
0x91: {  	s17 =	sld [smem:$0x3FFB];
	_ =	sdelay $0x3  }
0x92: {  	_ =	strace s17  }
0x93: {  	s2 =	sld [smem:$0x3FFC];
	_ =	sdelay $0x3  }
0x94: {  	_ =	strace s2  }
0x95: {  	s2 =	sld [smem:$0x3FFD];
	_ =	sdelay $0x3  }
0x96: {  	_ =	strace s2  }
0x97: {  	_ =	strace $0x8FFFFFFF  }
0x98: {  	s18 =	sld [smem:$0x3FDB];
	_ =	sdelay $0x1  }
0x99: {  	s19 =	simm.s32 $_scs_section_size  }
0x9a: {  	s4 =	simm.s32 $_size__tile_overlayer_lowered;
	s5 =	simm.s32 $_tile_overlayer_lowered  }
0x9b: {  	s22 =	simm.s32 $0x1BFF;
	s21 =	sshll.u32 s5, $0x1;
	s2 =	sadd.s32 s19, s18  }
0x9c: {  	s6 =	simm.s32 $0x0;
	s20 =	sshll.u32 s4, $0x1;
	s4 =	sadd.s32 s21, s2  }
0x9d: {  	[timem:s6], [sflag:s22] =	dma.local [hbm:s4], s20  }
0x9e: {  	_ =	swait.ge [sflag:s22], s20  }
0x9f: {  	s3 =	ssub.s32 $0x0, s20;
	[sflag:s22] =	ssyncset.done $0x0  }
0xa0: {  	[sflag:s22] =	ssyncadd.s32 s3;
	_ =	sdelay $0x1  }
0xa1: {  	s23 =	simm.s32 $0x1B8B  }
0xa2: {  	_ =	swait.ge [sflag:s23], $0x1  }
0xa3: {  	[sflag:s23] =	ssyncset.done $0x0  }
0xa4: {  	s25 =	simm.s32 $0x1B8E;
	s24 =	sld [smem:$0x3FFE];
	[sflag:s23] =	ssyncadd.s32 $0xFFFFFFFF  }
0xa5: {  	s26 =	simm.s32 $execute0_lowered;
	[smem:$0x3FD2] =	sst s25  }
0xa6: {  	s4 =	sshll.u32 s26, $0x1;
	_ =	strace $0x80000049;
	[dreg:$0x1] =	wrdreg $0xFFFFFFFF  }
0xa7: {  	s28 =	simm.s32 $_size_execute0_lowered;
	s2 =	sadd.s32 s2, s4;
	[dreg:$0x0] =	wrdreg $0x0  }
0xa8: {  	s4 =	sshll.u32 s28, $0x1;
	[dreg:$0x2] =	wrdreg s2  }
0xa9: {  	[dreg:$0x3] =	wrdreg s4  }
0xaa: {  	[dreg:$0x4] =	wrdreg $0xC0  }
0xab: {  	_ =	task [dreg:s6], $0x5FFFF  }
0xac: {  	[dreg:$0x1] =	wrdreg $0xFFFFFFFF  }
0xad: {  	[dreg:$0x0] =	wrdreg $0x60  }
0xae: {  	[dreg:$0x2] =	wrdreg s24  }
0xaf: {  	[dreg:$0x3] =	wrdreg $0x78000  }
0xb0: {  	[dreg:$0x4] =	wrdreg $0xC6200  }
0xb1: {  	[dreg:$0x5] =	wrdreg $0x9  }
0xb2: {  	_ =	task.clear_ibuf [dreg:s6], $0x6FFFF;
	_ =	strace $0x90000049  }
0xb3: {  	s29 =	simm.s32 $0x9;
	_ =	strace $0x8000004B  }
0xb4: {  	_ =	swait.ge [sflag:s29], $0x1  }
0xb5: {  	[sflag:s29] =	ssyncadd.s32 $0xFFFFFFFF  }
0xb6: {  	_ =	strace $0x9000004B  }
0xb7: {  	_ =	sfence  }
0xb8: {  	s30 =	sld [smem:$0x0];
	_ =	sdelay $0x2  }
0xb9: {  	s31 =	sshll.u32 s1, $0xD;
	s1 =	sshrl.u32 s1, $0x2  }
0xba: {  	s3 =	sand.u32 $0x4000, s31;
	s1 =	sadd.s32 s1, s30  }
0xbb: {  	s0 =	sor.u32 s3, s0;
	s1 =	sshll.u32 s1, $0x11  }
0xbc: {  	s0 =	sor.u32 s1, s0  }
0xbd: {  	s0 =	sadd.s32 $0x8F2B, s0  }
0xbe: {  	[sflag:s0] =	ssyncadd.remote.s32 $0x1  }
0xbf: {  	_ =	sfence.sel $0xFFFF  }
0xc0: {  	[dreg:$0x0] =	wrdreg $0xFFFFFFFF;
	(pc) =	sbr.abs _section_cstart, $3  }
0xc1: {  	[dreg:$0x1] =	wrdreg $0xFFFFFFFF  }
0xc2: {  	_ =	task.clear_ibuf [dreg:s6], $0x2FFFF;
	_ =	strace $0x9FFFFFFF  }
0xc3: {  	(tm) =	ssettm $0x7FFFFFFF  }
tec
execute0_lowered:
.L_overlay_start_1:
0x0: {  	(tag) =	ssettag $0x1  }
0x1: {  	s0 =	rddreg [dreg:$0x0]  }
0x2: {  	s2 =	rddreg [dreg:$0x1]  }
0x3: {  	s11 =	stileid.u32;
	s1 =	srdreg.scid  }
0x4: {  	s3 =	rddreg [dreg:$0x2];
	s4 =	smul.u32 $0x9C40, s11  }
0x5: {  	s7 =	simm.s32 $0x0;
	s1 =	sand.u32 $0x1, s1;
	s8 =	smul.u32 $0x14000, s11  }
0x6: {  	[smem:$0x7FF] =	sst s7;
	s9 =	sand.u32 $0x1, s11;
	s5 =	sshll.u32 s1, $0x4  }
0x7: {  	s6 =	smul.u32 $0x140000, s1;
	_ =	strace $0x8000004A;
	s1 =	ssub.s32 $0x2, s1  }
0x8: {  	p0 =	seq.s32 s9, $0x1;
	s9 =	simm.s32 $0x50000;
	s5 =	sor.u32 s11, s5  }
0x9: {  	s10 =	sshrl.u32 s4, $0x4;
	s12 =	sshrl.u32 s1, $0x1;
	s9 =	simm.s32 @!p0 $0x0  }
0xa: {  	s4 =	sshrl.u32 s4, $0x1;
	s16 =	sshrl.u32 s8, $0x1;
	s5 =	smul.u32 $0x500, s5  }
0xb: {  	s7 =	sadd.s32 s10, s0;
	s6 =	sadd.s32 s8, s6;
	s10 =	smul.u32 $0x28000, s11  }
0xc: {  	s1 =	ssub.s32 s1, s12;
	s4 =	sadd.s32 s4, s2;
	s11 =	sshll.u32 s11, $0x6  }
0xd: {  	s17 =	sadd.s32 s16, s3;
	s8 =	simm.s32 $0x1;
	s12 =	simm.s32 $0x2  }
0xe: {  	s6 =	sshrl.u32 s6, $0x4;
	s7 =	sadd.s32 $0x15400, s7;
	[dreg:$0x4] =	wrdreg s11  }
0xf: {  	s14 =	sor.u32 $0x1C01, s11;
	s1 =	smax.u32 s1, $0x1;
	s11 =	simm.s32 $0x6000  }
0x10: {  	s5 =	sadd.s32 s5, s0;
	s0 =	sadd.s32 s6, s0;
	[dreg:$0x5] =	wrdreg s7  }
0x11: {  	s13 =	sshrl.u32 s10, $0x2;
	[dreg:$0x6] =	wrdreg s14;
	s10 =	sadd.s32 s9, s3  }
0x12: {  	[dreg:$0xa] =	wrdreg s1;
	s6 =	simm.s32 $0x3;
	s15 =	sadd.s32 $0xB400, s5  }
0x13: {  	s9 =	simm.s32 $0x80;
	s5 =	sadd.s32 $0xA00, s5;
	[dreg:$0x7] =	wrdreg s15  }
0x14: {  	s7 =	sadd.s32 s13, s3;
	s0 =	sadd.s32 $0x1F200, s0;
	[dreg:$0x8] =	wrdreg s5  }
0x15: {  	s13 =	simm.s32 $0x0;
	[dreg:$0x9] =	wrdreg s0;
	s22 =	sadd.s32 $0x800, s7  }
0x16: {  	s23 =	sadd.s32 $0x1000, s7;
	s24 =	sadd.s32 $0x1800, s7;
	s25 =	sadd.s32 $0x2000, s7  }
0x17: {  	s26 =	sadd.s32 $0x2800, s7;
	s18 =	sadd.s32 $0x3000, s7;
	s19 =	sadd.s32 $0x3800, s7  }
0x18: {  	s20 =	sadd.s32 $0x4000, s7;
	s21 =	sadd.s32 $0x4800, s7;
	[dreg:$0xb] =	wrdreg s22  }
0x19: {  	s28 =	sadd.s32 $0x6800, s7;
	s29 =	sadd.s32 $0x7000, s7;
	[dreg:$0xc] =	wrdreg s23  }
0x1a: {  	s30 =	sadd.s32 $0x7800, s7;
	s31 =	sadd.s32 $0x8000, s7;
	[dreg:$0xd] =	wrdreg s24  }
0x1b: {  	s1 =	sadd.s32 $0x8800, s7;
	s0 =	sadd.s32 $0x9000, s7;
	[dreg:$0xe] =	wrdreg s25  }
0x1c: {  	s3 =	sadd.s32 $0x9800, s7;
	s5 =	simm.s32 $0x7000;
	[dreg:$0xf] =	wrdreg s26  }
0x1d: {  	s22 =	sadd.s32 $0x5000, s7;
	s23 =	sadd.s32 $0x5800, s7;
	s24 =	sshrl.u32 s4, $0x3  }
0x1e: {  	v0 =	vimm.bf16 $0.0e+00;
	s25 =	sshrl.u32 s17, $0x3;
	s26 =	sadd.s32 $0x6000, s7;
	s4 =	simm.s32 $0x5000  }
.LBB2_1:
0x1f: {  	s14 =	rddreg [dreg:$0x5]  }
0x20: {  	s15 =	rddreg [dreg:$0x6];
	s16 =	simm.s32 $0x0  }
0x21: {  	[spmem:s24], [sflag:s15] =	dma.local [hbm:s14], $0x9C4  }
0x22: {  	s17 =	sand.u32 $0x1F80, s16;
	s15 =	sand.u32 $0x20, s16  }
0x23: {  	s14 =	sshrl.u32 s17, $0x2;
	s15 =	sshrl.u32 s15, $0x1  }
0x24: {  	s15 =	sor.u32 s15, s14  }
0x25: {  	s14 =	simm.s32 $0x40;
	[tilespmem:s15+$0x7000] =	vst v0;
	s15 =	simm.s32 $0x0  }
.LBB2_2:
0x26: {  	p0 =	seq.s32 s14, $0x1FC0  }
.Ltmp0:
0x27: {  	s16 =	sand.u32 $0x1F80, s14;
	s15 =	sadd.s32 $0x20, s15;
	(pc) =	sbr.rel @!p0 .LBB2_2-.Ltmp0, $4  }
0x28: {  	s14 =	sadd.s32 $0x40, s14;
	s17 =	sand.u32 $0x20, s15  }
0x29: {  	s16 =	sshrl.u32 s16, $0x2;
	s17 =	sshrl.u32 s17, $0x1  }
0x2a: {  	s16 =	sor.u32 s17, s16  }
0x2b: {  	[tilespmem:s16+$0x7000] =	vst v0  }
0x2c: {  	[spmem:s7] =	stream.linear.scatter [tilespmem:s5], [sflag:$0x3], $0x800, $0x38;
	[tilespmem:$0x16620] =	vst v63  }
0x2d: {  	_ =	swait.ge [sflag:s6], $0x800  }
0x2e: {  	[sflag:s6] =	ssyncset.done $0x0  }
0x2f: {  	s14 =	rddreg [dreg:$0xb];
	[sflag:s6] =	ssyncadd.s32 $0xFFFFF800  }
0x30: {  	[spmem:s14] =	stream.linear.scatter [tilespmem:s5], [sflag:$0x3], $0x800, $0x38;
	[tilespmem:$0x16620] =	vst v63  }
0x31: {  	_ =	swait.ge [sflag:s6], $0x800  }
0x32: {  	[sflag:s6] =	ssyncset.done $0x0  }
0x33: {  	s16 =	rddreg [dreg:$0xc];
	[sflag:s6] =	ssyncadd.s32 $0xFFFFF800  }
0x34: {  	[spmem:s16] =	stream.linear.scatter [tilespmem:s5], [sflag:$0x3], $0x800, $0x38;
	[tilespmem:$0x16620] =	vst v63  }
0x35: {  	_ =	swait.ge [sflag:s6], $0x800  }
0x36: {  	[sflag:s6] =	ssyncset.done $0x0  }
0x37: {  	s17 =	rddreg [dreg:$0xd];
	[sflag:s6] =	ssyncadd.s32 $0xFFFFF800  }
0x38: {  	[spmem:s17] =	stream.linear.scatter [tilespmem:s5], [sflag:$0x3], $0x800, $0x38;
	[tilespmem:$0x16620] =	vst v63  }
0x39: {  	_ =	swait.ge [sflag:s6], $0x800  }
0x3a: {  	[sflag:s6] =	ssyncset.done $0x0  }
0x3b: {  	s15 =	rddreg [dreg:$0xe];
	[sflag:s6] =	ssyncadd.s32 $0xFFFFF800  }
0x3c: {  	[spmem:s15] =	stream.linear.scatter [tilespmem:s5], [sflag:$0x3], $0x800, $0x38;
	[tilespmem:$0x16620] =	vst v63  }
0x3d: {  	_ =	swait.ge [sflag:s6], $0x800  }
0x3e: {  	[sflag:s6] =	ssyncset.done $0x0  }
0x3f: {  	s16 =	rddreg [dreg:$0xf];
	[sflag:s6] =	ssyncadd.s32 $0xFFFFF800  }
0x40: {  	[spmem:s16] =	stream.linear.scatter [tilespmem:s5], [sflag:$0x3], $0x800, $0x38;
	[tilespmem:$0x16620] =	vst v63  }
0x41: {  	_ =	swait.ge [sflag:s6], $0x800  }
0x42: {  	[sflag:s6] =	ssyncset.done $0x0  }
0x43: {  	[sflag:s6] =	ssyncadd.s32 $0xFFFFF800  }
0x44: {  	[spmem:s18] =	stream.linear.scatter [tilespmem:s5], [sflag:$0x3], $0x800, $0x38;
	[tilespmem:$0x16620] =	vst v63  }
0x45: {  	_ =	swait.ge [sflag:s6], $0x800  }
0x46: {  	[sflag:s6] =	ssyncset.done $0x0  }
0x47: {  	[sflag:s6] =	ssyncadd.s32 $0xFFFFF800  }
0x48: {  	[spmem:s19] =	stream.linear.scatter [tilespmem:s5], [sflag:$0x3], $0x800, $0x38;
	[tilespmem:$0x16620] =	vst v63  }
0x49: {  	_ =	swait.ge [sflag:s6], $0x800  }
0x4a: {  	[sflag:s6] =	ssyncset.done $0x0  }
0x4b: {  	[sflag:s6] =	ssyncadd.s32 $0xFFFFF800  }
0x4c: {  	[spmem:s20] =	stream.linear.scatter [tilespmem:s5], [sflag:$0x3], $0x800, $0x38;
	[tilespmem:$0x16620] =	vst v63  }
0x4d: {  	_ =	swait.ge [sflag:s6], $0x800  }
0x4e: {  	[sflag:s6] =	ssyncset.done $0x0  }
0x4f: {  	[sflag:s6] =	ssyncadd.s32 $0xFFFFF800  }
0x50: {  	[spmem:s21] =	stream.linear.scatter [tilespmem:s5], [sflag:$0x3], $0x800, $0x38;
	[tilespmem:$0x16620] =	vst v63  }
0x51: {  	_ =	swait.ge [sflag:s6], $0x800  }
0x52: {  	[sflag:s6] =	ssyncset.done $0x0  }
0x53: {  	[sflag:s6] =	ssyncadd.s32 $0xFFFFF800  }
0x54: {  	[spmem:s22] =	stream.linear.scatter [tilespmem:s5], [sflag:$0x3], $0x800, $0x38;
	[tilespmem:$0x16620] =	vst v63  }
0x55: {  	_ =	swait.ge [sflag:s6], $0x800  }
0x56: {  	[sflag:s6] =	ssyncset.done $0x0  }
0x57: {  	[sflag:s6] =	ssyncadd.s32 $0xFFFFF800  }
0x58: {  	[spmem:s23] =	stream.linear.scatter [tilespmem:s5], [sflag:$0x3], $0x800, $0x38;
	[tilespmem:$0x16620] =	vst v63  }
0x59: {  	_ =	swait.ge [sflag:s6], $0x800  }
0x5a: {  	[sflag:s6] =	ssyncset.done $0x0  }
0x5b: {  	[sflag:s6] =	ssyncadd.s32 $0xFFFFF800  }
0x5c: {  	[spmem:s26] =	stream.linear.scatter [tilespmem:s5], [sflag:$0x3], $0x800, $0x38;
	[tilespmem:$0x16620] =	vst v63  }
0x5d: {  	_ =	swait.ge [sflag:s6], $0x800  }
0x5e: {  	[sflag:s6] =	ssyncset.done $0x0  }
0x5f: {  	[sflag:s6] =	ssyncadd.s32 $0xFFFFF800  }
0x60: {  	[spmem:s28] =	stream.linear.scatter [tilespmem:s5], [sflag:$0x3], $0x800, $0x38;
	[tilespmem:$0x16620] =	vst v63  }
0x61: {  	_ =	swait.ge [sflag:s6], $0x800  }
0x62: {  	[sflag:s6] =	ssyncset.done $0x0  }
0x63: {  	[sflag:s6] =	ssyncadd.s32 $0xFFFFF800  }
0x64: {  	[spmem:s29] =	stream.linear.scatter [tilespmem:s5], [sflag:$0x3], $0x800, $0x38;
	[tilespmem:$0x16620] =	vst v63  }
0x65: {  	_ =	swait.ge [sflag:s6], $0x800  }
0x66: {  	[sflag:s6] =	ssyncset.done $0x0  }
0x67: {  	[sflag:s6] =	ssyncadd.s32 $0xFFFFF800  }
0x68: {  	[spmem:s30] =	stream.linear.scatter [tilespmem:s5], [sflag:$0x3], $0x800, $0x38;
	[tilespmem:$0x16620] =	vst v63  }
0x69: {  	_ =	swait.ge [sflag:s6], $0x800  }
0x6a: {  	[sflag:s6] =	ssyncset.done $0x0  }
0x6b: {  	[sflag:s6] =	ssyncadd.s32 $0xFFFFF800  }
0x6c: {  	[spmem:s31] =	stream.linear.scatter [tilespmem:s5], [sflag:$0x3], $0x800, $0x38;
	[tilespmem:$0x16620] =	vst v63  }
0x6d: {  	_ =	swait.ge [sflag:s6], $0x800  }
0x6e: {  	[sflag:s6] =	ssyncset.done $0x0  }
0x6f: {  	[sflag:s6] =	ssyncadd.s32 $0xFFFFF800  }
0x70: {  	[spmem:s1] =	stream.linear.scatter [tilespmem:s5], [sflag:$0x3], $0x800, $0x38;
	[tilespmem:$0x16620] =	vst v63  }
0x71: {  	_ =	swait.ge [sflag:s6], $0x800  }
0x72: {  	[sflag:s6] =	ssyncset.done $0x0  }
0x73: {  	[sflag:s6] =	ssyncadd.s32 $0xFFFFF800  }
0x74: {  	[spmem:s0] =	stream.linear.scatter [tilespmem:s5], [sflag:$0x3], $0x800, $0x38;
	[tilespmem:$0x16620] =	vst v63  }
0x75: {  	_ =	swait.ge [sflag:s6], $0x800  }
0x76: {  	[sflag:s6] =	ssyncset.done $0x0  }
0x77: {  	[sflag:s6] =	ssyncadd.s32 $0xFFFFF800  }
0x78: {  	[spmem:s3] =	stream.linear.scatter [tilespmem:s5], [sflag:$0x3], $0x800, $0x38;
	[tilespmem:$0x16620] =	vst v63  }
0x79: {  	_ =	swait.ge [sflag:s6], $0x800  }
0x7a: {  	[sflag:s6] =	ssyncset.done $0x0  }
0x7b: {  	[sflag:s6] =	ssyncadd.s32 $0xFFFFF800  }
0x7c: {  	_ =	swait.ge [sflag:s8], $0x9C4  }
0x7d: {  	[sflag:s8] =	ssyncset.done $0x0  }
0x7e: {  	[sflag:s8] =	ssyncadd.s32 $0xFFFFF63C  }
0x7f: {  	[bflag:$0x0] =	sbarrier.arrive $0xFFFF  }
0x80: {  	s14 =	simm.s32 $0x0;
	s15 =	rddreg [dreg:$0x7]  }
0x81: {  	[tilespmem:s14], [sflag:$0x3] =	stream.linear.gather [hbm4b:s15+s14], $0x2800, $0x38;
	[tilespmem:$0x16620] =	vst v63  }
0x82: {  	_ =	swait.ge [sflag:s6], $0x2800  }
0x83: {  	[sflag:s6] =	ssyncset.done $0x0  }
0x84: {  	s16 =	simm.s32 $0x2800;
	s17 =	rddreg [dreg:$0x8];
	[sflag:s6] =	ssyncadd.s32 $0xFFFFD800  }
0x85: {  	[tilespmem:s16], [sflag:$0x3] =	stream.linear.gather [hbm4b:s17+s14], $0x2800, $0x38;
	[tilespmem:$0x16620] =	vst v63  }
0x86: {  	_ =	swait.ge [sflag:s6], $0x2800  }
0x87: {  	[sflag:s6] =	ssyncset.done $0x0  }
0x88: {  	[sflag:s6] =	ssyncadd.s32 $0xFFFFD800  }
0x89: {  	[tilespmem:s4], [sflag:$0x1] =	stream.indirect.gather [spmem:s2], $0x20, s14, s9, $0xb8;
	[tilespmem:$0x16620] =	vst v63  }
0x8a: {  	_ = 	snop  }
0x8b: {  	[tilespmem:s11], [sflag:$0x2] =	stream.indirect.gather [spmem:s2], $0x20, s9, s9, $0xb8;
	[tilespmem:$0x16620] =	vst v63  }
0x8c: {  	_ =	swait.ge [sflag:s8], $0x1000  }
0x8d: {  	[sflag:s8] =	ssyncset.done $0x0  }
0x8e: {  	s15 =	simm.s32 $0x2800;
	[sflag:s8] =	ssyncadd.s32 $0xFFFFF000  }
0x8f: {  	[spmem:s10] =	stream.indirect.scatter.add.bf16 [tilespmem:s4], [sflag:$0x3], $0x20, s15, s9, $0xb8;
	[tilespmem:$0x16620] =	vst v63  }
0x90: {  	_ =	swait.ge [sflag:s6], $0x1000  }
0x91: {  	[sflag:s6] =	ssyncset.done $0x0  }
0x92: {  	s16 =	simm.s32 $0x100;
	[sflag:s6] =	ssyncadd.s32 $0xFFFFF000  }
0x93: {  	[tilespmem:s4], [sflag:$0x1] =	stream.indirect.gather [spmem:s2], $0x20, s16, s9, $0xb8;
	[tilespmem:$0x16620] =	vst v63  }
0x94: {  	_ =	swait.ge [sflag:s12], $0x1000  }
0x95: {  	[sflag:s12] =	ssyncset.done $0x0  }
0x96: {  	s17 =	simm.s32 $0x2880;
	[sflag:s12] =	ssyncadd.s32 $0xFFFFF000  }
0x97: {  	[spmem:s10] =	stream.indirect.scatter.add.bf16 [tilespmem:s11], [sflag:$0x3], $0x20, s17, s9, $0xb8;
	[tilespmem:$0x16620] =	vst v63  }
0x98: {  	_ =	swait.ge [sflag:s6], $0x1000  }
0x99: {  	[sflag:s6] =	ssyncset.done $0x0  }
0x9a: {  	s14 =	simm.s32 $0x400;
	s15 =	simm.s32 $0x180;
	[sflag:s6] =	ssyncadd.s32 $0xFFFFF000  }
.LBB2_4:
0x9b: {  	[tilespmem:s11], [sflag:$0x2] =	stream.indirect.gather [spmem:s2], $0x20, s15, s9, $0xb8;
	[tilespmem:$0x16620] =	vst v63  }
0x9c: {  	s15 =	smov.u32 s14  }
0x9d: {  	p0 =	sne.s32 s14, $0x9800;
	s14 =	sadd.s32 $0x400, s14;
	_ =	swait.ge [sflag:s8], $0x1000  }
0x9e: {  	s15 =	sshra.s32 s15, $0x2;
	[sflag:s8] =	ssyncset.done $0x0  }
0x9f: {  	s16 =	sadd.s32 $0x2800, s15;
	[sflag:s8] =	ssyncadd.s32 $0xFFFFF000  }
0xa0: {  	[spmem:s10] =	stream.indirect.scatter.add.bf16 [tilespmem:s4], [sflag:$0x3], $0x20, s16, s9, $0xb8;
	[tilespmem:$0x16620] =	vst v63  }
0xa1: {  	_ =	swait.ge [sflag:s6], $0x1000  }
0xa2: {  	[sflag:s6] =	ssyncset.done $0x0  }
0xa3: {  	s16 =	sadd.s32 $0x100, s15;
	[sflag:s6] =	ssyncadd.s32 $0xFFFFF000  }
0xa4: {  	[tilespmem:s4], [sflag:$0x1] =	stream.indirect.gather [spmem:s2], $0x20, s16, s9, $0xb8;
	[tilespmem:$0x16620] =	vst v63  }
0xa5: {  	_ =	swait.ge [sflag:s12], $0x1000  }
0xa6: {  	[sflag:s12] =	ssyncset.done $0x0  }
.Ltmp1:
0xa7: {  	s16 =	sadd.s32 $0x2880, s15;
	[sflag:s12] =	ssyncadd.s32 $0xFFFFF000;
	(pc) =	sbr.rel @p0 .LBB2_4-.Ltmp1, $4  }
0xa8: {  	[spmem:s10] =	stream.indirect.scatter.add.bf16 [tilespmem:s11], [sflag:$0x3], $0x20, s16, s9, $0xb8;
	[tilespmem:$0x16620] =	vst v63  }
0xa9: {  	_ =	swait.ge [sflag:s6], $0x1000  }
0xaa: {  	[sflag:s6] =	ssyncset.done $0x0  }
0xab: {  	s15 =	sadd.s32 $0x180, s15;
	[sflag:s6] =	ssyncadd.s32 $0xFFFFF000  }
0xac: {  	[tilespmem:s11], [sflag:$0x2] =	stream.indirect.gather [spmem:s2], $0x20, s15, s9, $0xb8;
	[tilespmem:$0x16620] =	vst v63  }
0xad: {  	_ =	swait.ge [sflag:s8], $0x1000  }
0xae: {  	[sflag:s8] =	ssyncset.done $0x0  }
0xaf: {  	s14 =	simm.s32 $0x4F00;
	[sflag:s8] =	ssyncadd.s32 $0xFFFFF000  }
0xb0: {  	[spmem:s10] =	stream.indirect.scatter.add.bf16 [tilespmem:s4], [sflag:$0x3], $0x20, s14, s9, $0xb8;
	[tilespmem:$0x16620] =	vst v63  }
0xb1: {  	_ =	swait.ge [sflag:s6], $0x1000  }
0xb2: {  	[sflag:s6] =	ssyncset.done $0x0  }
0xb3: {  	[sflag:s6] =	ssyncadd.s32 $0xFFFFF000  }
0xb4: {  	_ =	swait.ge [sflag:s12], $0x1000  }
0xb5: {  	[sflag:s12] =	ssyncset.done $0x0  }
0xb6: {  	s17 =	simm.s32 $0x4F80;
	[sflag:s12] =	ssyncadd.s32 $0xFFFFF000  }
0xb7: {  	[spmem:s10] =	stream.indirect.scatter.add.bf16 [tilespmem:s11], [sflag:$0x3], $0x20, s17, s9, $0xb8;
	[tilespmem:$0x16620] =	vst v63  }
0xb8: {  	_ =	swait.ge [sflag:s6], $0x1000  }
0xb9: {  	[sflag:s6] =	ssyncset.done $0x0  }
0xba: {  	[sflag:s6] =	ssyncadd.s32 $0xFFFFF000  }
0xbb: {  	[bflag:$0x0] =	sbarrier.arrive $0xFFFF  }
0xbc: {  	s15 =	rddreg [dreg:$0x4]  }
0xbd: {  	s16 =	rddreg [dreg:$0x9];
	s14 =	sor.u32 $0x1C03, s15  }
0xbe: {  	[hbm:s16], [sflag:s14] =	dma.local [spmem:s25], $0x1400  }
0xbf: {  	_ =	swait.ge [sflag:s6], $0x1400  }
0xc0: {  	s13 =	sadd.s32 $0x1, s13;
	s17 =	rddreg [dreg:$0xa]  }
0xc1: {  	p0 =	sne.s32 s13, s17  }
.Ltmp2:
0xc2: {  	_ = 	snop;
	(pc) =	sbr.rel @p0 .LBB2_1-.Ltmp2, $3  }
0xc3: {  	_ =	sdelay $0x1  }
0xc4: {  	[sflag:s6] =	ssyncset.done $0x0  }
0xc5: {  	[sflag:s6] =	ssyncadd.s32 $0xFFFFEC00  }
0xc6: {  	_ =	sfence.sel $0x180000  }
0xc7: {  	[bflag:$0x0] =	sbarrier.arrive $0xFFFF  }
0xc8: {  	_ =	strace $0x9000004A  }
0xc9: {  	s0 =	stileid.u32;
	[bflag:$0x2] =	sbarrier.arrive $0xFFFF  }
0xca: {  	p0 =	sne.s32 s0, $0x0;
	s0 =	rddreg [dreg:$0x3]  }
0xcb: {  	s0 =	sadd.s32 @!p0 $0x100000, s0  }
0xcc: {  	[sflag:s0] =	ssyncadd.tile.s32 @!p0 $0x1;
	_ =	shalt  }
.Lfunc_end2:
_tile_overlayer_lowered:
.L_overlay_start_2:
0xcd: {  	(tag) =	ssettag $0x2  }
0xce: {  	s0 =	rddreg [dreg:$0x0];
	s2 =	stileid.u32  }
0xcf: {  	s1 =	rddreg [dreg:$0x1];
	p0 =	sne.s32 s2, $0x0  }
0xd0: {  	s3 =	rddreg [dreg:$0x2];
	[bflag:$0x3] =	sbarrier.arrive $0xFFFF;
	s2 =	simm.s32 @!p0 $0x1C03  }
0xd1: {  	[timem:s3], [sflag:s2] =	dma.local @!p0 [hbm:s0], s1  }
0xd2: {  	s0 =	simm.s32 @!p0 $0x3  }
0xd3: {  	_ =	swait.ge @!p0 [sflag:s0], s1  }
0xd4: {  	s1 =	ssub.s32 @!p0 $0x0, s1;
	[sflag:s0] =	ssyncset.done @!p0 $0x0  }
0xd5: {  	[sflag:s0] =	ssyncadd.s32 @!p0 s1  }
0xd6: {  	[bflag:$0x3] =	sbarrier.arrive $0xFFFF  }
0xd7: {  	_ =	shalt  }

// kernel: kernel.14.cloned.1.call-start
scs
__scs_entry_jumppad:
0x0: {  	(pc) =	sbr.rel $0x88, $3  }
0x1: {  	(tag) =	ssettag $0x0;
	lr =	simm.s32 $0x1  }
0x2: {  	[smem:$0x3F9B] =	sst lr;
	_ =	strace $0xD0000000  }
0x3: {  	_ = 	snop  }
0x4: {  	_ = 	snop  }
0x5: {  	_ = 	snop  }
0x6: {  	_ = 	snop  }
0x7: {  	_ = 	snop  }
__scs_overlays_trampoline_lowered:
0x8: {  	[smem:$0x3FAA] =	sst s0  }
0x9: {  	[smem:$0x3FAB] =	sst s1  }
0xa: {  	[smem:$0x3FAC] =	sst s2  }
0xb: {  	[smem:$0x3FAD] =	sst s3  }
0xc: {  	[smem:$0x3FAE] =	sst s4  }
0xd: {  	[smem:$0x3FAF] =	sst s5  }
0xe: {  	[smem:$0x3FB0] =	sst s6  }
0xf: {  	[smem:$0x3FB1] =	sst s7  }
0x10: {  	[smem:$0x3FB2] =	sst s8  }
0x11: {  	[smem:$0x3FB3] =	sst s9;
	s0 =	simm.s32 @!p0 $0x0  }
0x12: {  	s1 =	sld [smem:$0x3F99];
	s0 =	simm.s32 @p0 $0x1  }
0x13: {  	[smem:$0x3FB4] =	sst s0;
	s0 =	simm.s32 @!p1 $0x0  }
0x14: {  	s2 =	sld [smem:$0x3F98];
	s0 =	simm.s32 @p1 $0x1  }
0x15: {  	[smem:$0x3FB5] =	sst s0;
	s0 =	simm.s32 @!p2 $0x0  }
0x16: {  	s3 =	sld [smem:$0x3FDB];
	s0 =	simm.s32 @p2 $0x1  }
0x17: {  	s4 =	simm.s32 $0x1BF5;
	[smem:$0x3FB7] =	sst s0  }
0x18: {  	s0 =	sld [smem:$0x3F9A];
	_ =	swait.ge [sflag:s4], $0x0  }
0x19: {  	s7 =	sld [smem:$0x3F9B]  }
0x1a: {  	s8 =	sadd.s32 $0xFFFFE003, lr  }
0x1b: {  	s9 =	sadd.s32 $0xFFFFFEF7, lr;
	s5 =	simm.s32 $0xFFFFFFFF;
	p2 =	slt.u32 s8, $0xFFFFF086  }
0x1c: {  	p1 =	slt.u32 s9, $0xF7A;
	s5 =	simm.s32 @!p2 $0x0  }
0x1d: {  	s5 =	simm.s32 @p1 $0x1;
	p0 =	seq.s32 s7, s2  }
0x1e: {  	s7 =	smul.u32 @!p0 $0xF7A, s2;
	p2 =	seq.s32 @!p0 s5, $0x0  }
0x1f: {  	s9 =	smul.u32 $0xF7A, s1;
	s8 =	simm.s32 @!p0 $0x1BF5;
	p2 =	por !p2, p0  }
0x20: {  	[sflag:s8] =	ssyncset.s32 @!p0 $0xFFFFF086;
	s6 =	sadd.s32 @!p0 s3, s7;
	s7 =	simm.s32 @!p0 $0x108  }
0x21: {  	s3 =	sadd.s32 s3, s9;
	s6 =	sadd.s32 @!p0 $0x88, s6;
	s7 =	simm.s32 @p2 $0x1082  }
0x22: {  	[simem:s7], [sflag:s8] =	dma.local @!p0 [hbm:s6], $0xF7A  }
0x23: {  	s9 =	sor.u32 $0xD0000000, s2;
	s6 =	simm.s32 $0x108;
	_ =	swait.ge @!p0 [sflag:s8], $0x0  }
0x24: {  	s3 =	sadd.s32 $0x88, s3;
	s6 =	simm.s32 @!p1 $0x1082;
	[sflag:s4] =	ssyncset.s32 $0xFFFFF086  }
0x25: {  	[simem:s6], [sflag:s4] =	dma.local [hbm:s3], $0xF7A  }
0x26: {  	[smem:$0x3F9B] =	sst s1;
	(tag) =	ssettag s2;
	_ =	strace s9  }
0x27: {  	s1 =	sld [smem:$0x3FAB]  }
0x28: {  	s2 =	sld [smem:$0x3FAC]  }
0x29: {  	s4 =	sld [smem:$0x3FAE]  }
0x2a: {  	p0 =	seq.s32 s5, $0x0;
	s5 =	sld [smem:$0x3FAF]  }
0x2b: {  	s6 =	sld [smem:$0x3FB0]  }
0x2c: {  	s7 =	sld [smem:$0x3FB1]  }
0x2d: {  	s3 =	simm.s32 $0x108;
	s8 =	sld [smem:$0x3FB2]  }
0x2e: {  	s3 =	simm.s32 @!p0 $0x1082;
	s9 =	sld [smem:$0x3FB3]  }
0x2f: {  	lr =	sadd.s32 s0, s3;
	s0 =	sld [smem:$0x3FAA]  }
0x30: {  	s3 =	sld [smem:$0x3FAD]  }
0x31: {  	[smem:$0x3FB6] =	sst s10  }
0x32: {  	s10 =	sld [smem:$0x3FB4];
	_ =	sdelay $0x3  }
0x33: {  	p0 =	seq.s32 s10, $0x1;
	s10 =	sld [smem:$0x3FB6];
	_ =	sdelay $0x3  }
0x34: {  	[smem:$0x3FB6] =	sst s10  }
0x35: {  	s10 =	sld [smem:$0x3FB5];
	_ =	sdelay $0x3  }
0x36: {  	p1 =	seq.s32 s10, $0x1;
	s10 =	sld [smem:$0x3FB6];
	_ =	sdelay $0x3  }
0x37: {  	[smem:$0x3FB6] =	sst s10  }
0x38: {  	s10 =	sld [smem:$0x3FB7]  }
0x39: {  	_ = 	snop;
	(pc) =	sbr.ind lr, $3  }
0x3a: {  	_ = 	snop  }
0x3b: {  	_ = 	snop  }
0x3c: {  	p2 =	seq.s32 s10, $0x1;
	s10 =	sld [smem:$0x3FB6]  }
0x3d: {  	_ =	shalt  }
0x3e: {  	_ =	shalt  }
0x3f: {  	_ =	shalt  }
0x40: {  	_ =	shalt  }
0x41: {  	_ =	shalt  }
0x42: {  	_ =	shalt  }
0x43: {  	_ =	shalt  }
0x44: {  	_ =	shalt  }
0x45: {  	_ =	shalt  }
0x46: {  	_ =	shalt  }
0x47: {  	_ =	shalt  }
0x48: {  	_ =	shalt  }
0x49: {  	_ =	shalt  }
0x4a: {  	_ =	shalt  }
0x4b: {  	_ =	shalt  }
0x4c: {  	_ =	shalt  }
0x4d: {  	_ =	shalt  }
0x4e: {  	_ =	shalt  }
0x4f: {  	_ =	shalt  }
0x50: {  	_ =	shalt  }
0x51: {  	_ =	shalt  }
0x52: {  	_ =	shalt  }
0x53: {  	_ =	shalt  }
0x54: {  	_ =	shalt  }
0x55: {  	_ =	shalt  }
0x56: {  	_ =	shalt  }
0x57: {  	_ =	shalt  }
0x58: {  	_ =	shalt  }
0x59: {  	_ =	shalt  }
0x5a: {  	_ =	shalt  }
0x5b: {  	_ =	shalt  }
0x5c: {  	_ =	shalt  }
0x5d: {  	_ =	shalt  }
0x5e: {  	_ =	shalt  }
0x5f: {  	_ =	shalt  }
0x60: {  	_ =	shalt  }
0x61: {  	_ =	shalt  }
0x62: {  	_ =	shalt  }
0x63: {  	_ =	shalt  }
0x64: {  	_ =	shalt  }
0x65: {  	_ =	shalt  }
0x66: {  	_ =	shalt  }
0x67: {  	_ =	shalt  }
0x68: {  	_ =	shalt  }
0x69: {  	_ =	shalt  }
0x6a: {  	_ =	shalt  }
0x6b: {  	_ =	shalt  }
0x6c: {  	_ =	shalt  }
0x6d: {  	_ =	shalt  }
0x6e: {  	_ =	shalt  }
0x6f: {  	_ =	shalt  }
0x70: {  	_ =	shalt  }
0x71: {  	_ =	shalt  }
0x72: {  	_ =	shalt  }
0x73: {  	_ =	shalt  }
0x74: {  	_ =	shalt  }
0x75: {  	_ =	shalt  }
0x76: {  	_ =	shalt  }
0x77: {  	_ =	shalt  }
0x78: {  	_ =	shalt  }
0x79: {  	_ =	shalt  }
0x7a: {  	_ =	shalt  }
0x7b: {  	_ =	shalt  }
0x7c: {  	_ =	shalt  }
0x7d: {  	_ =	shalt  }
0x7e: {  	_ =	shalt  }
0x7f: {  	_ =	shalt  }
0x80: {  	_ =	shalt  }
0x81: {  	_ =	shalt  }
0x82: {  	_ =	shalt  }
0x83: {  	_ =	shalt  }
0x84: {  	_ =	shalt  }
0x85: {  	_ =	shalt  }
0x86: {  	_ =	shalt  }
0x87: {  	_ =	shalt  }
.Lfunc_end0:
.L_simem_size_0:
called_computation.2_lowered:
.L_overlay_start_0:
0x88: {  	s2 =	sld [smem:$0x3FD9]  }
0x89: {  	s3 =	sld [smem:$0x3FFE];
	_ =	sdelay $0x1  }
0x8a: {  	s1 =	srdreg.scid  }
0x8b: {  	s0 =	sand.u32 $0x1, s1  }
0x8c: {  	s17 =	sshll.u32 s0, $0xA;
	s2 =	sadd.s32 s3, s2  }
0x8d: {  	s2 =	sadd.s32 s2, s17  }
0x8e: {  	[smem:$0x3FC2] =	sst s2  }
0x8f: {  	_ = 	snop  }
0x90: {  	s2 =	sld [smem:$0x3FD0];
	(tm) =	ssettm $0x1  }
0x91: {  	s18 =	sld [smem:$0x3FFB];
	_ =	sdelay $0x3  }
0x92: {  	_ =	strace s18  }
0x93: {  	s3 =	sld [smem:$0x3FFC];
	_ =	sdelay $0x3  }
0x94: {  	_ =	strace s3  }
0x95: {  	s3 =	sld [smem:$0x3FFD];
	_ =	sdelay $0x3  }
0x96: {  	_ =	strace s3  }
0x97: {  	_ =	strace $0x8FFFFFFF  }
0x98: {  	s19 =	sld [smem:$0x3FDB];
	_ =	sdelay $0x1  }
0x99: {  	s4 =	simm.s32 $_scs_section_size  }
0x9a: {  	s5 =	simm.s32 $_size__tile_overlayer_lowered;
	s6 =	simm.s32 $_tile_overlayer_lowered  }
0x9b: {  	s22 =	simm.s32 $0x1BFF;
	s21 =	sshll.u32 s6, $0x1;
	s3 =	sadd.s32 s4, s19  }
0x9c: {  	s7 =	simm.s32 $0x0;
	s20 =	sshll.u32 s5, $0x1;
	s5 =	sadd.s32 s21, s3  }
0x9d: {  	[timem:s7], [sflag:s22] =	dma.local [hbm:s5], s20  }
0x9e: {  	_ =	swait.ge [sflag:s22], s20  }
0x9f: {  	s4 =	ssub.s32 $0x0, s20;
	[sflag:s22] =	ssyncset.done $0x0  }
0xa0: {  	[sflag:s22] =	ssyncadd.s32 s4;
	_ =	sdelay $0x1  }
0xa1: {  	s23 =	simm.s32 $0x1B8B  }
0xa2: {  	_ =	swait.ge [sflag:s23], $0x1  }
0xa3: {  	[sflag:s23] =	ssyncset.done $0x0  }
0xa4: {  	s25 =	simm.s32 $0x1B8E;
	s24 =	sld [smem:$0x3FFE];
	[sflag:s23] =	ssyncadd.s32 $0xFFFFFFFF  }
0xa5: {  	s26 =	simm.s32 $execute0_lowered;
	[smem:$0x3FD2] =	sst s25  }
0xa6: {  	s5 =	sshll.u32 s26, $0x1;
	_ =	strace $0x8000004C;
	[dreg:$0x1] =	wrdreg $0xFFFFFFFF  }
0xa7: {  	s28 =	simm.s32 $_size_execute0_lowered;
	s3 =	sadd.s32 s3, s5;
	[dreg:$0x0] =	wrdreg $0x0  }
0xa8: {  	s5 =	sshll.u32 s28, $0x1;
	[dreg:$0x2] =	wrdreg s3  }
0xa9: {  	[dreg:$0x3] =	wrdreg s5  }
0xaa: {  	[dreg:$0x4] =	wrdreg $0xC0  }
0xab: {  	_ =	task [dreg:s7], $0x5FFFF  }
0xac: {  	[dreg:$0x1] =	wrdreg $0xFFFFFFFF  }
0xad: {  	[dreg:$0x0] =	wrdreg $0x60  }
0xae: {  	[dreg:$0x2] =	wrdreg s2  }
0xaf: {  	[dreg:$0x3] =	wrdreg s24  }
0xb0: {  	[dreg:$0x4] =	wrdreg $0xA0000  }
0xb1: {  	[dreg:$0x5] =	wrdreg $0x9  }
0xb2: {  	_ =	task.clear_ibuf [dreg:s7], $0x6FFFF;
	_ =	strace $0x9000004C  }
0xb3: {  	s29 =	simm.s32 $0x9;
	_ =	strace $0x8000004E  }
0xb4: {  	_ =	swait.ge [sflag:s29], $0x1  }
0xb5: {  	[sflag:s29] =	ssyncadd.s32 $0xFFFFFFFF  }
0xb6: {  	_ =	strace $0x9000004E  }
0xb7: {  	_ =	sfence  }
0xb8: {  	s30 =	sld [smem:$0x0];
	_ =	sdelay $0x2  }
0xb9: {  	s31 =	sshll.u32 s1, $0xD;
	s1 =	sshrl.u32 s1, $0x2  }
0xba: {  	s3 =	sand.u32 $0x4000, s31;
	s1 =	sadd.s32 s1, s30  }
0xbb: {  	s0 =	sor.u32 s3, s0;
	s1 =	sshll.u32 s1, $0x11  }
0xbc: {  	s0 =	sor.u32 s1, s0  }
0xbd: {  	s0 =	sadd.s32 $0x8F2B, s0  }
0xbe: {  	[sflag:s0] =	ssyncadd.remote.s32 $0x1  }
0xbf: {  	_ =	sfence.sel $0xFFFF  }
0xc0: {  	[dreg:$0x0] =	wrdreg $0xFFFFFFFF;
	(pc) =	sbr.abs _section_cstart, $3  }
0xc1: {  	[dreg:$0x1] =	wrdreg $0xFFFFFFFF  }
0xc2: {  	_ =	task.clear_ibuf [dreg:s7], $0x2FFFF;
	_ =	strace $0x9FFFFFFF  }
0xc3: {  	(tm) =	ssettm $0x7FFFFFFF  }
tec
execute0_lowered:
.L_overlay_start_1:
0x0: {  	(tag) =	ssettag $0x1  }
0x1: {  	s2 =	rddreg [dreg:$0x0]  }
0x2: {  	s5 =	rddreg [dreg:$0x1]  }
0x3: {  	s3 =	rddreg [dreg:$0x2];
	s4 =	srdreg.scid  }
0x4: {  	s1 =	stileid.u32;
	s0 =	rddreg [dreg:$0x3];
	s11 =	simm.s32 $0x1  }
0x5: {  	s12 =	simm.s32 $0x2800;
	s13 =	simm.s32 $0x5000;
	s14 =	simm.s32 $0x7800  }
0x6: {  	s15 =	simm.s32 $0x8000;
	s16 =	simm.s32 $0x8800;
	s17 =	simm.s32 $0x9000  }
0x7: {  	s18 =	simm.s32 $0x9800;
	s21 =	simm.s32 $0x0;
	s6 =	sand.u32 $0x1, s4  }
0x8: {  	s8 =	smul.u32 $0x280, s1;
	s4 =	simm.s32 $0x0;
	s19 =	sshll.u32 s1, $0x6  }
0x9: {  	s7 =	sshll.u32 s6, $0x4;
	s9 =	smul.u32 $0x2800, s6;
	[smem:$0x7FF] =	sst s4  }
0xa: {  	s6 =	ssub.s32 $0x2, s6;
	s19 =	sor.u32 $0x1C01, s19;
	s7 =	sor.u32 s1, s7  }
0xb: {  	s10 =	sshrl.u32 s6, $0x1;
	s7 =	smul.u32 $0x500, s7;
	s9 =	sadd.s32 s8, s9  }
0xc: {  	_ =	strace $0x8000004D;
	s10 =	ssub.s32 s6, s10;
	s9 =	sshrl.u32 s9, $0x3  }
0xd: {  	v0 =	vlaneseq.u32;
	s10 =	smax.u32 s10, $0x1;
	s7 =	sadd.s32 s7, s5;
	s9 =	sadd.s32 s9, s5  }
0xe: {  	v1 =	vimm.f32 $0.0e+00;
	vm0 =	vmmov $0xffff;
	v2 =	vor.u32 $0x10, v0;
	s5 =	sadd.s32 $0xB400, s7;
	s6 =	sadd.s32 $0xA00, s7;
	s7 =	sadd.s32 s8, s3  }
0xf: {  	v3 =	vor.u32 $0x20, v0;
	v4 =	vor.u32 $0x30, v0;
	v5 =	vor.u32 $0x40, v0;
	s8 =	sadd.s32 $0x7800, s8;
	s9 =	sadd.s32 $0xAA00, s9;
	s20 =	sshrl.u32 s7, $0x3  }
.LBB2_1:
0x10: {  	[tilespmem:s4], [sflag:$0x1] =	stream.linear.gather [hbm4b:s2+s4], $0x2800, $0x38;
	[tilespmem:$0xA280] =	vst v63  }
0x11: {  	_ =	swait.ge [sflag:s11], $0x2800  }
0x12: {  	[sflag:s11] =	ssyncset.done $0x0  }
0x13: {  	[sflag:s11] =	ssyncadd.s32 $0xFFFFD800  }
0x14: {  	[tilespmem:s12], [sflag:$0x1] =	stream.linear.gather [hbm4b:s5+s4], $0x2800, $0x38;
	[tilespmem:$0xA280] =	vst v63  }
0x15: {  	_ =	swait.ge [sflag:s11], $0x2800  }
0x16: {  	[sflag:s11] =	ssyncset.done $0x0  }
0x17: {  	[sflag:s11] =	ssyncadd.s32 $0xFFFFD800  }
0x18: {  	[tilespmem:s13], [sflag:$0x1] =	stream.linear.gather [hbm4b:s6+s4], $0x2800, $0x38;
	[tilespmem:$0xA280] =	vst v63  }
0x19: {  	s22 =	sand.u32 $0xFE00, s4;
	_ =	swait.ge [sflag:s11], $0x2800  }
0x1a: {  	s23 =	sand.u32 $0x40, s4;
	s22 =	sshrl.u32 s22, $0x2;
	[sflag:s11] =	ssyncset.done $0x0  }
0x1b: {  	s23 =	sor.u32 s23, s22;
	[sflag:s11] =	ssyncadd.s32 $0xFFFFD800  }
0x1c: {  	[tilespmem:s23+$0x7830] =	vst v1  }
0x1d: {  	[tilespmem:s23+$0x7800] =	vst v1  }
0x1e: {  	s24 =	simm.s32 $0x40;
	s22 =	simm.s32 $0x100;
	[tilespmem:s23+$0x7810] =	vst v1  }
.LBB2_2:
0x1f: {  	s25 =	sand.u32 $0xFE00, s22;
	p0 =	sne.s32 s22, $0x9F00;
	s22 =	sadd.s32 $0x100, s22;
	[tilespmem:s23+$0x7820] =	vst v1  }
.Ltmp0:
0x20: {  	s23 =	sand.u32 $0x40, s24;
	s25 =	sshrl.u32 s25, $0x2;
	(pc) =	sbr.rel @p0 .LBB2_2-.Ltmp0, $4  }
0x21: {  	s23 =	sor.u32 s23, s25  }
0x22: {  	[tilespmem:s23+$0x7830] =	vst v1  }
0x23: {  	[tilespmem:s23+$0x7800] =	vst v1  }
0x24: {  	s24 =	sadd.s32 $0x40, s24;
	[tilespmem:s23+$0x7810] =	vst v1  }
0x25: {  	[tilespmem:s23+$0x7820] =	vst v1  }
0x26: {  	[spmem:s7] =	stream.linear.scatter [tilespmem:s8], [sflag:$0x1], $0x280, $0x38;
	[tilespmem:$0xA280] =	vst v63  }
0x27: {  	_ =	swait.ge [sflag:s11], $0x280  }
0x28: {  	[sflag:s11] =	ssyncset.done $0x0  }
0x29: {  	[sflag:s11] =	ssyncadd.s32 $0xFFFFFD80  }
0x2a: {  	s22 =	simm.s32 $0x0;
	[bflag:$0x0] =	sbarrier.arrive $0xFFFF  }
.LBB2_4:
0x2b: {  	s23 =	sshra.s32 s22, $0x2  }
0x2c: {  	v6 =	vld [tilespmem:s23+$0x2800];
	_ =	sdelay $0x4  }
0x2d: {  	v7 =	vld [tilespmem:s23+$0x5000];
	_ =	sdelay $0x2  }
0x2e: {  	v6 =	vld.idx.msk [tilespmem:v6+s4+$0x0], $0xffff;
	_ =	sdelay $0x4  }
0x2f: {  	[tilespmem:v7+s14+$0x0] =	vst.idx.add.f32.msk $0xffff, v6  }
0x30: {  	v6 =	vld [tilespmem:s23+$0x2810];
	_ =	sdelay $0x4  }
0x31: {  	v7 =	vld [tilespmem:s23+$0x5010];
	_ =	sdelay $0x2  }
0x32: {  	v6 =	vld.idx.msk [tilespmem:v6+s4+$0x0], $0xffff;
	_ =	sdelay $0x4  }
0x33: {  	[tilespmem:v7+s14+$0x0] =	vst.idx.add.f32.msk $0xffff, v6  }
0x34: {  	v6 =	vld [tilespmem:s23+$0x2820];
	_ =	sdelay $0x4  }
0x35: {  	v7 =	vld [tilespmem:s23+$0x5020];
	_ =	sdelay $0x2  }
0x36: {  	v6 =	vld.idx.msk [tilespmem:v6+s4+$0x0], $0xffff;
	_ =	sdelay $0x4  }
0x37: {  	[tilespmem:v7+s14+$0x0] =	vst.idx.add.f32.msk $0xffff, v6  }
0x38: {  	v6 =	vld [tilespmem:s23+$0x2830];
	_ =	sdelay $0x4  }
0x39: {  	v7 =	vld [tilespmem:s23+$0x5030];
	_ =	sdelay $0x2  }
0x3a: {  	p0 =	sne.s32 s22, $0x9F00;
	v6 =	vld.idx.msk [tilespmem:v6+s4+$0x0], $0xffff  }
.Ltmp1:
0x3b: {  	_ = 	snop;
	(pc) =	sbr.rel @p0 .LBB2_4-.Ltmp1, $2  }
0x3c: {  	_ =	sdelay $0x2  }
0x3d: {  	s22 =	sadd.s32 $0x100, s22;
	[tilespmem:v7+s14+$0x0] =	vst.idx.add.f32.msk $0xffff, v6  }
0x3e: {  	_ =	sdelay $0x3  }
0x3f: {  	[spmem:s3] =	stream.indirect_vreg.scatter.add.f32 [tilespmem:s14], [sflag:$0x1], $0x80, v0, vm0, $0xb8;
	[tilespmem:$0xA280] =	vst v63  }
0x40: {  	_ =	swait.ge [sflag:s11], $0x800  }
0x41: {  	[sflag:s11] =	ssyncset.done $0x0  }
0x42: {  	[sflag:s11] =	ssyncadd.s32 $0xFFFFF800  }
0x43: {  	[spmem:s3] =	stream.indirect_vreg.scatter.add.f32 [tilespmem:s15], [sflag:$0x1], $0x80, v2, vm0, $0xb8;
	[tilespmem:$0xA280] =	vst v63  }
0x44: {  	_ =	swait.ge [sflag:s11], $0x800  }
0x45: {  	[sflag:s11] =	ssyncset.done $0x0  }
0x46: {  	[sflag:s11] =	ssyncadd.s32 $0xFFFFF800  }
0x47: {  	[spmem:s3] =	stream.indirect_vreg.scatter.add.f32 [tilespmem:s16], [sflag:$0x1], $0x80, v3, vm0, $0xb8;
	[tilespmem:$0xA280] =	vst v63  }
0x48: {  	_ =	swait.ge [sflag:s11], $0x800  }
0x49: {  	[sflag:s11] =	ssyncset.done $0x0  }
0x4a: {  	[sflag:s11] =	ssyncadd.s32 $0xFFFFF800  }
0x4b: {  	[spmem:s3] =	stream.indirect_vreg.scatter.add.f32 [tilespmem:s17], [sflag:$0x1], $0x80, v4, vm0, $0xb8;
	[tilespmem:$0xA280] =	vst v63  }
0x4c: {  	_ =	swait.ge [sflag:s11], $0x800  }
0x4d: {  	[sflag:s11] =	ssyncset.done $0x0  }
0x4e: {  	[sflag:s11] =	ssyncadd.s32 $0xFFFFF800  }
0x4f: {  	[spmem:s3] =	stream.indirect_vreg.scatter.add.f32 [tilespmem:s18], [sflag:$0x1], $0x80, v5, vm0, $0xb8;
	[tilespmem:$0xA280] =	vst v63  }
0x50: {  	_ =	swait.ge [sflag:s11], $0x800  }
0x51: {  	s21 =	sadd.s32 $0x1, s21;
	[sflag:s11] =	ssyncset.done $0x0  }
0x52: {  	p0 =	sne.s32 s21, s10;
	[sflag:s11] =	ssyncadd.s32 $0xFFFFF800  }
.Ltmp2:
0x53: {  	[bflag:$0x0] =	sbarrier.arrive $0xFFFF;
	(pc) =	sbr.rel @p0 .LBB2_1-.Ltmp2, $4  }
0x54: {  	[hbm:s9], [sflag:s19] =	dma.local [spmem:s20], $0x50  }
0x55: {  	_ =	swait.ge [sflag:s11], $0x50  }
0x56: {  	[sflag:s11] =	ssyncset.done $0x0  }
0x57: {  	[sflag:s11] =	ssyncadd.s32 $0xFFFFFFB0  }
0x58: {  	_ =	sfence.sel $0x180000  }
0x59: {  	[bflag:$0x0] =	sbarrier.arrive $0xFFFF  }
0x5a: {  	p0 =	sne.s32 s1, $0x0;
	_ =	strace $0x9000004D  }
0x5b: {  	s0 =	sadd.s32 @!p0 $0x100000, s0;
	[bflag:$0x2] =	sbarrier.arrive $0xFFFF  }
0x5c: {  	[sflag:s0] =	ssyncadd.tile.s32 @!p0 $0x1;
	_ =	shalt  }
.Lfunc_end2:
_tile_overlayer_lowered:
.L_overlay_start_2:
0x5d: {  	(tag) =	ssettag $0x2  }
0x5e: {  	s0 =	rddreg [dreg:$0x0];
	s2 =	stileid.u32  }
0x5f: {  	s1 =	rddreg [dreg:$0x1];
	p0 =	sne.s32 s2, $0x0  }
0x60: {  	s3 =	rddreg [dreg:$0x2];
	[bflag:$0x3] =	sbarrier.arrive $0xFFFF;
	s2 =	simm.s32 @!p0 $0x1C01  }
0x61: {  	[timem:s3], [sflag:s2] =	dma.local @!p0 [hbm:s0], s1  }
0x62: {  	s0 =	simm.s32 @!p0 $0x1  }
0x63: {  	_ =	swait.ge @!p0 [sflag:s0], s1  }
0x64: {  	s1 =	ssub.s32 @!p0 $0x0, s1;
	[sflag:s0] =	ssyncset.done @!p0 $0x0  }
0x65: {  	[sflag:s0] =	ssyncadd.s32 @!p0 s1  }
0x66: {  	[bflag:$0x3] =	sbarrier.arrive $0xFFFF  }
0x67: {  	_ =	shalt  }

// kernel: kernel.8.cloned.1.call-start
scs
__scs_entry_jumppad:
0x0: {  	(pc) =	sbr.rel $0x88, $3  }
0x1: {  	(tag) =	ssettag $0x0;
	lr =	simm.s32 $0x1  }
0x2: {  	[smem:$0x3F9B] =	sst lr;
	_ =	strace $0xD0000000  }
0x3: {  	_ = 	snop  }
0x4: {  	_ = 	snop  }
0x5: {  	_ = 	snop  }
0x6: {  	_ = 	snop  }
0x7: {  	_ = 	snop  }
__scs_overlays_trampoline_lowered:
0x8: {  	[smem:$0x3FAA] =	sst s0  }
0x9: {  	[smem:$0x3FAB] =	sst s1  }
0xa: {  	[smem:$0x3FAC] =	sst s2  }
0xb: {  	[smem:$0x3FAD] =	sst s3  }
0xc: {  	[smem:$0x3FAE] =	sst s4  }
0xd: {  	[smem:$0x3FAF] =	sst s5  }
0xe: {  	[smem:$0x3FB0] =	sst s6  }
0xf: {  	[smem:$0x3FB1] =	sst s7  }
0x10: {  	[smem:$0x3FB2] =	sst s8  }
0x11: {  	[smem:$0x3FB3] =	sst s9;
	s0 =	simm.s32 @!p0 $0x0  }
0x12: {  	s1 =	sld [smem:$0x3F99];
	s0 =	simm.s32 @p0 $0x1  }
0x13: {  	[smem:$0x3FB4] =	sst s0;
	s0 =	simm.s32 @!p1 $0x0  }
0x14: {  	s2 =	sld [smem:$0x3F98];
	s0 =	simm.s32 @p1 $0x1  }
0x15: {  	[smem:$0x3FB5] =	sst s0;
	s0 =	simm.s32 @!p2 $0x0  }
0x16: {  	s3 =	sld [smem:$0x3FDB];
	s0 =	simm.s32 @p2 $0x1  }
0x17: {  	s4 =	simm.s32 $0x1BF5;
	[smem:$0x3FB7] =	sst s0  }
0x18: {  	s0 =	sld [smem:$0x3F9A];
	_ =	swait.ge [sflag:s4], $0x0  }
0x19: {  	s7 =	sld [smem:$0x3F9B]  }
0x1a: {  	s8 =	sadd.s32 $0xFFFFE003, lr  }
0x1b: {  	s9 =	sadd.s32 $0xFFFFFEF7, lr;
	s5 =	simm.s32 $0xFFFFFFFF;
	p2 =	slt.u32 s8, $0xFFFFF086  }
0x1c: {  	p1 =	slt.u32 s9, $0xF7A;
	s5 =	simm.s32 @!p2 $0x0  }
0x1d: {  	s5 =	simm.s32 @p1 $0x1;
	p0 =	seq.s32 s7, s2  }
0x1e: {  	s7 =	smul.u32 @!p0 $0xF7A, s2;
	p2 =	seq.s32 @!p0 s5, $0x0  }
0x1f: {  	s9 =	smul.u32 $0xF7A, s1;
	s8 =	simm.s32 @!p0 $0x1BF5;
	p2 =	por !p2, p0  }
0x20: {  	[sflag:s8] =	ssyncset.s32 @!p0 $0xFFFFF086;
	s6 =	sadd.s32 @!p0 s3, s7;
	s7 =	simm.s32 @!p0 $0x108  }
0x21: {  	s3 =	sadd.s32 s3, s9;
	s6 =	sadd.s32 @!p0 $0x88, s6;
	s7 =	simm.s32 @p2 $0x1082  }
0x22: {  	[simem:s7], [sflag:s8] =	dma.local @!p0 [hbm:s6], $0xF7A  }
0x23: {  	s9 =	sor.u32 $0xD0000000, s2;
	s6 =	simm.s32 $0x108;
	_ =	swait.ge @!p0 [sflag:s8], $0x0  }
0x24: {  	s3 =	sadd.s32 $0x88, s3;
	s6 =	simm.s32 @!p1 $0x1082;
	[sflag:s4] =	ssyncset.s32 $0xFFFFF086  }
0x25: {  	[simem:s6], [sflag:s4] =	dma.local [hbm:s3], $0xF7A  }
0x26: {  	[smem:$0x3F9B] =	sst s1;
	(tag) =	ssettag s2;
	_ =	strace s9  }
0x27: {  	s1 =	sld [smem:$0x3FAB]  }
0x28: {  	s2 =	sld [smem:$0x3FAC]  }
0x29: {  	s4 =	sld [smem:$0x3FAE]  }
0x2a: {  	p0 =	seq.s32 s5, $0x0;
	s5 =	sld [smem:$0x3FAF]  }
0x2b: {  	s6 =	sld [smem:$0x3FB0]  }
0x2c: {  	s7 =	sld [smem:$0x3FB1]  }
0x2d: {  	s3 =	simm.s32 $0x108;
	s8 =	sld [smem:$0x3FB2]  }
0x2e: {  	s3 =	simm.s32 @!p0 $0x1082;
	s9 =	sld [smem:$0x3FB3]  }
0x2f: {  	lr =	sadd.s32 s0, s3;
	s0 =	sld [smem:$0x3FAA]  }
0x30: {  	s3 =	sld [smem:$0x3FAD]  }
0x31: {  	[smem:$0x3FB6] =	sst s10  }
0x32: {  	s10 =	sld [smem:$0x3FB4];
	_ =	sdelay $0x3  }
0x33: {  	p0 =	seq.s32 s10, $0x1;
	s10 =	sld [smem:$0x3FB6];
	_ =	sdelay $0x3  }
0x34: {  	[smem:$0x3FB6] =	sst s10  }
0x35: {  	s10 =	sld [smem:$0x3FB5];
	_ =	sdelay $0x3  }
0x36: {  	p1 =	seq.s32 s10, $0x1;
	s10 =	sld [smem:$0x3FB6];
	_ =	sdelay $0x3  }
0x37: {  	[smem:$0x3FB6] =	sst s10  }
0x38: {  	s10 =	sld [smem:$0x3FB7]  }
0x39: {  	_ = 	snop;
	(pc) =	sbr.ind lr, $3  }
0x3a: {  	_ = 	snop  }
0x3b: {  	_ = 	snop  }
0x3c: {  	p2 =	seq.s32 s10, $0x1;
	s10 =	sld [smem:$0x3FB6]  }
0x3d: {  	_ =	shalt  }
0x3e: {  	_ =	shalt  }
0x3f: {  	_ =	shalt  }
0x40: {  	_ =	shalt  }
0x41: {  	_ =	shalt  }
0x42: {  	_ =	shalt  }
0x43: {  	_ =	shalt  }
0x44: {  	_ =	shalt  }
0x45: {  	_ =	shalt  }
0x46: {  	_ =	shalt  }
0x47: {  	_ =	shalt  }
0x48: {  	_ =	shalt  }
0x49: {  	_ =	shalt  }
0x4a: {  	_ =	shalt  }
0x4b: {  	_ =	shalt  }
0x4c: {  	_ =	shalt  }
0x4d: {  	_ =	shalt  }
0x4e: {  	_ =	shalt  }
0x4f: {  	_ =	shalt  }
0x50: {  	_ =	shalt  }
0x51: {  	_ =	shalt  }
0x52: {  	_ =	shalt  }
0x53: {  	_ =	shalt  }
0x54: {  	_ =	shalt  }
0x55: {  	_ =	shalt  }
0x56: {  	_ =	shalt  }
0x57: {  	_ =	shalt  }
0x58: {  	_ =	shalt  }
0x59: {  	_ =	shalt  }
0x5a: {  	_ =	shalt  }
0x5b: {  	_ =	shalt  }
0x5c: {  	_ =	shalt  }
0x5d: {  	_ =	shalt  }
0x5e: {  	_ =	shalt  }
0x5f: {  	_ =	shalt  }
0x60: {  	_ =	shalt  }
0x61: {  	_ =	shalt  }
0x62: {  	_ =	shalt  }
0x63: {  	_ =	shalt  }
0x64: {  	_ =	shalt  }
0x65: {  	_ =	shalt  }
0x66: {  	_ =	shalt  }
0x67: {  	_ =	shalt  }
0x68: {  	_ =	shalt  }
0x69: {  	_ =	shalt  }
0x6a: {  	_ =	shalt  }
0x6b: {  	_ =	shalt  }
0x6c: {  	_ =	shalt  }
0x6d: {  	_ =	shalt  }
0x6e: {  	_ =	shalt  }
0x6f: {  	_ =	shalt  }
0x70: {  	_ =	shalt  }
0x71: {  	_ =	shalt  }
0x72: {  	_ =	shalt  }
0x73: {  	_ =	shalt  }
0x74: {  	_ =	shalt  }
0x75: {  	_ =	shalt  }
0x76: {  	_ =	shalt  }
0x77: {  	_ =	shalt  }
0x78: {  	_ =	shalt  }
0x79: {  	_ =	shalt  }
0x7a: {  	_ =	shalt  }
0x7b: {  	_ =	shalt  }
0x7c: {  	_ =	shalt  }
0x7d: {  	_ =	shalt  }
0x7e: {  	_ =	shalt  }
0x7f: {  	_ =	shalt  }
0x80: {  	_ =	shalt  }
0x81: {  	_ =	shalt  }
0x82: {  	_ =	shalt  }
0x83: {  	_ =	shalt  }
0x84: {  	_ =	shalt  }
0x85: {  	_ =	shalt  }
0x86: {  	_ =	shalt  }
0x87: {  	_ =	shalt  }
.Lfunc_end0:
.L_simem_size_0:
called_computation_lowered:
.L_overlay_start_0:
0x88: {  	s2 =	sld [smem:$0x3FD9]  }
0x89: {  	s3 =	sld [smem:$0x3FFE];
	_ =	sdelay $0x1  }
0x8a: {  	s1 =	srdreg.scid  }
0x8b: {  	s0 =	sand.u32 $0x1, s1  }
0x8c: {  	s16 =	sshll.u32 s0, $0xA;
	s2 =	sadd.s32 s3, s2  }
0x8d: {  	s2 =	sadd.s32 s2, s16  }
0x8e: {  	[smem:$0x3FC2] =	sst s2  }
0x8f: {  	_ = 	snop  }
0x90: {  	(tm) =	ssettm $0x1  }
0x91: {  	s17 =	sld [smem:$0x3FFB];
	_ =	sdelay $0x3  }
0x92: {  	_ =	strace s17  }
0x93: {  	s2 =	sld [smem:$0x3FFC];
	_ =	sdelay $0x3  }
0x94: {  	_ =	strace s2  }
0x95: {  	s2 =	sld [smem:$0x3FFD];
	_ =	sdelay $0x3  }
0x96: {  	_ =	strace s2  }
0x97: {  	_ =	strace $0x8FFFFFFF  }
0x98: {  	s18 =	sld [smem:$0x3FDB];
	_ =	sdelay $0x1  }
0x99: {  	s19 =	simm.s32 $_scs_section_size  }
0x9a: {  	s4 =	simm.s32 $_size__tile_overlayer_lowered;
	s5 =	simm.s32 $_tile_overlayer_lowered  }
0x9b: {  	s22 =	simm.s32 $0x1BFF;
	s21 =	sshll.u32 s5, $0x1;
	s2 =	sadd.s32 s19, s18  }
0x9c: {  	s6 =	simm.s32 $0x0;
	s20 =	sshll.u32 s4, $0x1;
	s4 =	sadd.s32 s21, s2  }
0x9d: {  	[timem:s6], [sflag:s22] =	dma.local [hbm:s4], s20  }
0x9e: {  	_ =	swait.ge [sflag:s22], s20  }
0x9f: {  	s3 =	ssub.s32 $0x0, s20;
	[sflag:s22] =	ssyncset.done $0x0  }
0xa0: {  	[sflag:s22] =	ssyncadd.s32 s3;
	_ =	sdelay $0x1  }
0xa1: {  	s23 =	simm.s32 $0x1B8B  }
0xa2: {  	_ =	swait.ge [sflag:s23], $0x1  }
0xa3: {  	[sflag:s23] =	ssyncset.done $0x0  }
0xa4: {  	s25 =	simm.s32 $0x1B8E;
	s24 =	sld [smem:$0x3FFE];
	[sflag:s23] =	ssyncadd.s32 $0xFFFFFFFF  }
0xa5: {  	s26 =	simm.s32 $execute0_lowered;
	[smem:$0x3FD2] =	sst s25  }
0xa6: {  	s4 =	sshll.u32 s26, $0x1;
	_ =	strace $0x80000046;
	[dreg:$0x1] =	wrdreg $0xFFFFFFFF  }
0xa7: {  	s28 =	simm.s32 $_size_execute0_lowered;
	s2 =	sadd.s32 s2, s4;
	[dreg:$0x0] =	wrdreg $0x0  }
0xa8: {  	s4 =	sshll.u32 s28, $0x1;
	[dreg:$0x2] =	wrdreg s2  }
0xa9: {  	[dreg:$0x3] =	wrdreg s4  }
0xaa: {  	[dreg:$0x4] =	wrdreg $0xC0  }
0xab: {  	_ =	task [dreg:s6], $0x5FFFF  }
0xac: {  	[dreg:$0x1] =	wrdreg $0xFFFFFFFF  }
0xad: {  	[dreg:$0x0] =	wrdreg $0x60  }
0xae: {  	[dreg:$0x2] =	wrdreg s24  }
0xaf: {  	[dreg:$0x3] =	wrdreg $0x50000  }
0xb0: {  	[dreg:$0x4] =	wrdreg $0x9  }
0xb1: {  	_ =	task.clear_ibuf [dreg:s6], $0x5FFFF;
	_ =	strace $0x90000046  }
0xb2: {  	s29 =	simm.s32 $0x9;
	_ =	strace $0x80000048  }
0xb3: {  	_ =	swait.ge [sflag:s29], $0x1  }
0xb4: {  	[sflag:s29] =	ssyncadd.s32 $0xFFFFFFFF  }
0xb5: {  	_ =	strace $0x90000048  }
0xb6: {  	_ =	sfence  }
0xb7: {  	s30 =	sld [smem:$0x0];
	_ =	sdelay $0x2  }
0xb8: {  	s31 =	sshll.u32 s1, $0xD;
	s1 =	sshrl.u32 s1, $0x2  }
0xb9: {  	s3 =	sand.u32 $0x4000, s31;
	s1 =	sadd.s32 s1, s30  }
0xba: {  	s0 =	sor.u32 s3, s0;
	s1 =	sshll.u32 s1, $0x11  }
0xbb: {  	s0 =	sor.u32 s1, s0  }
0xbc: {  	s0 =	sadd.s32 $0x8F2B, s0  }
0xbd: {  	[sflag:s0] =	ssyncadd.remote.s32 $0x1  }
0xbe: {  	_ =	sfence.sel $0xFFFF  }
0xbf: {  	[dreg:$0x0] =	wrdreg $0xFFFFFFFF;
	(pc) =	sbr.abs _section_cstart, $3  }
0xc0: {  	[dreg:$0x1] =	wrdreg $0xFFFFFFFF  }
0xc1: {  	_ =	task.clear_ibuf [dreg:s6], $0x2FFFF;
	_ =	strace $0x9FFFFFFF  }
0xc2: {  	(tm) =	ssettm $0x7FFFFFFF  }
0xc3: {  	_ =	shalt  }
tec
execute0_lowered:
.L_overlay_start_1:
0x0: {  	(tag) =	ssettag $0x1  }
0x1: {  	s4 =	rddreg [dreg:$0x0]  }
0x2: {  	s2 =	rddreg [dreg:$0x1];
	s3 =	srdreg.scid  }
0x3: {  	s1 =	stileid.u32;
	s0 =	rddreg [dreg:$0x2];
	s10 =	simm.s32 $0x2800  }
0x4: {  	s11 =	simm.s32 $0x3000;
	s12 =	simm.s32 $0x3800;
	s13 =	simm.s32 $0x4000  }
0x5: {  	s14 =	simm.s32 $0x4800;
	s17 =	simm.s32 $0x0;
	s5 =	sand.u32 $0x1, s3  }
0x6: {  	s6 =	smul.u32 $0x280, s1;
	s3 =	simm.s32 $0x0;
	s15 =	sshll.u32 s1, $0x6  }
0x7: {  	s7 =	sshll.u32 s5, $0x4;
	s8 =	smul.u32 $0x2800, s5;
	[smem:$0x7FF] =	sst s3  }
0x8: {  	s5 =	ssub.s32 $0x2, s5;
	s15 =	sor.u32 $0x1C01, s15;
	s7 =	sor.u32 s1, s7  }
0x9: {  	_ =	strace $0x80000047;
	s9 =	sshrl.u32 s5, $0x1;
	s7 =	smul.u32 $0x500, s7  }
0xa: {  	s8 =	sadd.s32 s6, s8;
	s9 =	ssub.s32 s5, s9;
	s5 =	sadd.s32 s6, s2  }
0xb: {  	v0 =	vimm.f32 $0.0e+00;
	v1 =	vlaneseq.u32;
	s6 =	sadd.s32 $0x2800, s6;
	s8 =	sshrl.u32 s8, $0x3;
	s7 =	sadd.s32 s7, s4  }
0xc: {  	v2 =	vimm.f32 $1.000000000e+00;
	vm0 =	vmmov $0xffff;
	v3 =	vor.u32 $0x10, v1;
	s16 =	sshrl.u32 s5, $0x3;
	s8 =	sadd.s32 s8, s4;
	s4 =	sadd.s32 $0xA00, s7  }
0xd: {  	v4 =	vor.u32 $0x20, v1;
	v5 =	vor.u32 $0x30, v1;
	v6 =	vor.u32 $0x40, v1;
	s7 =	sadd.s32 $0xAA00, s8;
	s8 =	smax.u32 s9, $0x1;
	s9 =	simm.s32 $0x1  }
.LBB2_1:
0xe: {  	[tilespmem:s3], [sflag:$0x1] =	stream.linear.gather [hbm4b:s4+s3], $0x2800, $0x38;
	[tilespmem:$0x5280] =	vst v63  }
0xf: {  	s18 =	sand.u32 $0xFE00, s3;
	_ =	swait.ge [sflag:s9], $0x2800  }
0x10: {  	s19 =	sand.u32 $0x40, s3;
	s18 =	sshrl.u32 s18, $0x2;
	[sflag:s9] =	ssyncset.done $0x0  }
0x11: {  	s19 =	sor.u32 s19, s18;
	[sflag:s9] =	ssyncadd.s32 $0xFFFFD800  }
0x12: {  	[tilespmem:s19+$0x2830] =	vst v0  }
0x13: {  	[tilespmem:s19+$0x2800] =	vst v0  }
0x14: {  	s20 =	simm.s32 $0x40;
	s18 =	simm.s32 $0x100;
	[tilespmem:s19+$0x2810] =	vst v0  }
.LBB2_2:
0x15: {  	s21 =	sand.u32 $0xFE00, s18;
	p0 =	sne.s32 s18, $0x9F00;
	s18 =	sadd.s32 $0x100, s18;
	[tilespmem:s19+$0x2820] =	vst v0  }
.Ltmp0:
0x16: {  	s19 =	sand.u32 $0x40, s20;
	s21 =	sshrl.u32 s21, $0x2;
	(pc) =	sbr.rel @p0 .LBB2_2-.Ltmp0, $4  }
0x17: {  	s19 =	sor.u32 s19, s21  }
0x18: {  	[tilespmem:s19+$0x2830] =	vst v0  }
0x19: {  	[tilespmem:s19+$0x2800] =	vst v0  }
0x1a: {  	s20 =	sadd.s32 $0x40, s20;
	[tilespmem:s19+$0x2810] =	vst v0  }
0x1b: {  	[tilespmem:s19+$0x2820] =	vst v0  }
0x1c: {  	[spmem:s5] =	stream.linear.scatter [tilespmem:s6], [sflag:$0x1], $0x280, $0x38;
	[tilespmem:$0x5280] =	vst v63  }
0x1d: {  	_ =	swait.ge [sflag:s9], $0x280  }
0x1e: {  	[sflag:s9] =	ssyncset.done $0x0  }
0x1f: {  	[sflag:s9] =	ssyncadd.s32 $0xFFFFFD80  }
0x20: {  	s18 =	simm.s32 $0x0;
	[bflag:$0x0] =	sbarrier.arrive $0xFFFF  }
.LBB2_4:
0x21: {  	s19 =	sshra.s32 s18, $0x2  }
0x22: {  	v7 =	vld [tilespmem:s19+$0x0];
	_ =	sdelay $0x7  }
0x23: {  	[tilespmem:v7+s10+$0x0] =	vst.idx.add.f32.msk $0xffff, v2  }
0x24: {  	v7 =	vld [tilespmem:s19+$0x10];
	_ =	sdelay $0x7  }
0x25: {  	[tilespmem:v7+s10+$0x0] =	vst.idx.add.f32.msk $0xffff, v2  }
0x26: {  	v7 =	vld [tilespmem:s19+$0x20];
	_ =	sdelay $0x7  }
0x27: {  	[tilespmem:v7+s10+$0x0] =	vst.idx.add.f32.msk $0xffff, v2  }
0x28: {  	v7 =	vld [tilespmem:s19+$0x30];
	_ =	sdelay $0x2  }
0x29: {  	p0 =	sne.s32 s18, $0x9F00  }
.Ltmp1:
0x2a: {  	_ = 	snop;
	(pc) =	sbr.rel @p0 .LBB2_4-.Ltmp1, $2  }
0x2b: {  	_ =	sdelay $0x2  }
0x2c: {  	s18 =	sadd.s32 $0x100, s18;
	[tilespmem:v7+s10+$0x0] =	vst.idx.add.f32.msk $0xffff, v2  }
0x2d: {  	_ =	sdelay $0x3  }
0x2e: {  	[spmem:s2] =	stream.indirect_vreg.scatter.add.f32 [tilespmem:s10], [sflag:$0x1], $0x80, v1, vm0, $0xb8;
	[tilespmem:$0x5280] =	vst v63  }
0x2f: {  	_ =	swait.ge [sflag:s9], $0x800  }
0x30: {  	[sflag:s9] =	ssyncset.done $0x0  }
0x31: {  	[sflag:s9] =	ssyncadd.s32 $0xFFFFF800  }
0x32: {  	[spmem:s2] =	stream.indirect_vreg.scatter.add.f32 [tilespmem:s11], [sflag:$0x1], $0x80, v3, vm0, $0xb8;
	[tilespmem:$0x5280] =	vst v63  }
0x33: {  	_ =	swait.ge [sflag:s9], $0x800  }
0x34: {  	[sflag:s9] =	ssyncset.done $0x0  }
0x35: {  	[sflag:s9] =	ssyncadd.s32 $0xFFFFF800  }
0x36: {  	[spmem:s2] =	stream.indirect_vreg.scatter.add.f32 [tilespmem:s12], [sflag:$0x1], $0x80, v4, vm0, $0xb8;
	[tilespmem:$0x5280] =	vst v63  }
0x37: {  	_ =	swait.ge [sflag:s9], $0x800  }
0x38: {  	[sflag:s9] =	ssyncset.done $0x0  }
0x39: {  	[sflag:s9] =	ssyncadd.s32 $0xFFFFF800  }
0x3a: {  	[spmem:s2] =	stream.indirect_vreg.scatter.add.f32 [tilespmem:s13], [sflag:$0x1], $0x80, v5, vm0, $0xb8;
	[tilespmem:$0x5280] =	vst v63  }
0x3b: {  	_ =	swait.ge [sflag:s9], $0x800  }
0x3c: {  	[sflag:s9] =	ssyncset.done $0x0  }
0x3d: {  	[sflag:s9] =	ssyncadd.s32 $0xFFFFF800  }
0x3e: {  	[spmem:s2] =	stream.indirect_vreg.scatter.add.f32 [tilespmem:s14], [sflag:$0x1], $0x80, v6, vm0, $0xb8;
	[tilespmem:$0x5280] =	vst v63  }
0x3f: {  	_ =	swait.ge [sflag:s9], $0x800  }
0x40: {  	s17 =	sadd.s32 $0x1, s17;
	[sflag:s9] =	ssyncset.done $0x0  }
0x41: {  	p0 =	sne.s32 s17, s8;
	[sflag:s9] =	ssyncadd.s32 $0xFFFFF800  }
.Ltmp2:
0x42: {  	[bflag:$0x0] =	sbarrier.arrive $0xFFFF;
	(pc) =	sbr.rel @p0 .LBB2_1-.Ltmp2, $4  }
0x43: {  	[hbm:s7], [sflag:s15] =	dma.local [spmem:s16], $0x50  }
0x44: {  	_ =	swait.ge [sflag:s9], $0x50  }
0x45: {  	[sflag:s9] =	ssyncset.done $0x0  }
0x46: {  	[sflag:s9] =	ssyncadd.s32 $0xFFFFFFB0  }
0x47: {  	_ =	sfence.sel $0x180000  }
0x48: {  	[bflag:$0x0] =	sbarrier.arrive $0xFFFF  }
0x49: {  	p0 =	sne.s32 s1, $0x0;
	_ =	strace $0x90000047  }
0x4a: {  	s0 =	sadd.s32 @!p0 $0x100000, s0;
	[bflag:$0x2] =	sbarrier.arrive $0xFFFF  }
0x4b: {  	[sflag:s0] =	ssyncadd.tile.s32 @!p0 $0x1;
	_ =	shalt  }
.Lfunc_end2:
_tile_overlayer_lowered:
.L_overlay_start_2:
0x4c: {  	(tag) =	ssettag $0x2  }
0x4d: {  	s0 =	rddreg [dreg:$0x0];
	s2 =	stileid.u32  }
0x4e: {  	s1 =	rddreg [dreg:$0x1];
	p0 =	sne.s32 s2, $0x0  }
0x4f: {  	s3 =	rddreg [dreg:$0x2];
	[bflag:$0x3] =	sbarrier.arrive $0xFFFF;
	s2 =	simm.s32 @!p0 $0x1C01  }
0x50: {  	[timem:s3], [sflag:s2] =	dma.local @!p0 [hbm:s0], s1  }
0x51: {  	s0 =	simm.s32 @!p0 $0x1  }
0x52: {  	_ =	swait.ge @!p0 [sflag:s0], s1  }
0x53: {  	s1 =	ssub.s32 @!p0 $0x0, s1;
	[sflag:s0] =	ssyncset.done @!p0 $0x0  }
0x54: {  	[sflag:s0] =	ssyncadd.s32 @!p0 s1  }
0x55: {  	[bflag:$0x3] =	sbarrier.arrive $0xFFFF  }
0x56: {  	_ =	shalt  }

</sc_bundles>
